<compile_context>
chip_gen: v7x
topology: tpu7x:2x2x1
jax: 0.10.2.dev20260603
libtpu: 0.0.44.dev20260713+nightly
codegen_flags: <defaults>
</compile_context>

<pallas_src>
import functools

import jax
import jax.numpy as jnp
from jax import lax
from jax.experimental import pallas as pl
from jax.experimental.pallas import tpu as pltpu
from jax.experimental.pallas import tpu_sc as plsc

_B, _T, _D, _V = 8, 576, 256, 8192
_M = _B * _T
_BM = 2304
_BN = 1024
_BV = 1024

_NC, _NS = 2, 16
_NW = _NC * _NS
_BPW = _M // _NW


def _main_body(x_ref, cb_ref, g_ref, b_ref, wo_ref,
               iout_ref, vout_ref, tab_ref, km_ref):
    @pl.when(pl.program_id(0) == 0)
    def _prep():
        for t in range(_V // _BN):
            c = cb_ref[pl.ds(t * _BN, _BN), :]
            csq = jnp.sum(c * c, axis=1, keepdims=True)
            km_ref[pl.ds(t * _BN, _BN), :] = (
                c * lax.rsqrt(jnp.maximum(csq, 1e-12)))
            mean = jnp.mean(c, axis=1, keepdims=True)
            cm = c - mean
            var = jnp.mean(cm * cm, axis=1, keepdims=True)
            y = cm * lax.rsqrt(var + 1e-6) * g_ref[...] + b_ref[...]
            tab_ref[pl.ds(t * _BN, _BN), :] = jnp.dot(
                y, wo_ref[...], preferred_element_type=jnp.float32)

    q0 = x_ref[...]
    sq = jnp.sum(q0 * q0, axis=1, keepdims=True)
    q = q0 * lax.rsqrt(jnp.maximum(sq, 1e-12))
    bv = jnp.full((_BM, 128), -jnp.inf, jnp.float32)
    bg = jnp.zeros((_BM, 128), jnp.int32)
    for t in range(_V // _BN):
        k = km_ref[pl.ds(t * _BN, _BN), :]
        s = lax.dot_general(q, k, (((1,), (1,)), ((), ())),
                            preferred_element_type=jnp.float32)
        for g in range(_BN // 128):
            v = s[:, g * 128:(g + 1) * 128]
            upd = v > bv
            bv = jnp.maximum(v, bv)
            bg = jnp.where(upd, jnp.int32(t * (_BN // 128) + g), bg)
    m = jnp.max(bv, axis=1, keepdims=True)
    lane = lax.broadcasted_iota(jnp.int32, (_BM, 128), 1)
    cand = jnp.where(bv == m, bg * 128 + lane, jnp.int32(_V))
    a = jnp.min(cand, axis=1, keepdims=True)
    vout_ref[...] = m
    iout_ref[...] = a


def _main(x2, codebook, ln_gamma, ln_beta, W_o):
    return pl.pallas_call(
        _main_body,
        grid=(_M // _BM,),
        in_specs=[
            pl.BlockSpec((_BM, _D), lambda i: (i, 0)),
            pl.BlockSpec((_V, _D), lambda i: (0, 0)),
            pl.BlockSpec((1, _D), lambda i: (0, 0)),
            pl.BlockSpec((1, _D), lambda i: (0, 0)),
            pl.BlockSpec((_D, _D), lambda i: (0, 0)),
        ],
        out_specs=[
            pl.BlockSpec((_BM, 1), lambda i: (i, 0)),
            pl.BlockSpec((_BM, 1), lambda i: (i, 0)),
            pl.BlockSpec((_V, _D), lambda i: (0, 0)),
        ],
        out_shape=[
            jax.ShapeDtypeStruct((_M, 1), jnp.int32),
            jax.ShapeDtypeStruct((_M, 1), jnp.float32),
            jax.ShapeDtypeStruct((_V, _D), jnp.float32),
        ],
        scratch_shapes=[pltpu.VMEM((_V, _D), jnp.float32)],
        compiler_params=pltpu.CompilerParams(
            dimension_semantics=("arbitrary",)),
    )(x2, codebook, ln_gamma.reshape(1, _D), ln_beta.reshape(1, _D), W_o)


def _sc_gather(table, idx):
    mesh = plsc.VectorSubcoreMesh(core_axis_name="c", subcore_axis_name="s")

    @functools.partial(
        pl.kernel, mesh=mesh,
        out_type=jax.ShapeDtypeStruct((_M, _D), jnp.float32),
        scratch_types=[
            pltpu.VMEM((_BPW,), jnp.int32),
            pltpu.VMEM((_BPW, _D), jnp.float32),
            pltpu.SemaphoreType.DMA,
        ],
    )
    def k(table_hbm, idx_hbm, out_hbm, idx_v, rows_v, sem):
        wid = lax.axis_index("s") * _NC + lax.axis_index("c")
        base = wid * _BPW
        pltpu.sync_copy(idx_hbm.at[pl.ds(base, _BPW)], idx_v)
        pltpu.async_copy(table_hbm.at[idx_v], rows_v, sem).wait()
        pltpu.sync_copy(rows_v, out_hbm.at[pl.ds(base, _BPW)])

    return k(table, idx)


def kernel(inputs, codebook, ln_gamma, ln_beta, W_o):
    x2 = inputs.reshape(_M, _D)
    idx2, sim2, table = _main(x2, codebook, ln_gamma, ln_beta, W_o)
    idx_flat = idx2.reshape(_M)
    emb = _sc_gather(table, idx_flat)
    return (idx_flat.reshape(_B, _T),
            sim2.reshape(_B, _T),
            emb.reshape(_B, _T, _D),
            jnp.float32(0.0))

# --- scband reference (transcript-rebuilt; emitter-appended) ---
"""Pipeline reference for scband-vector-quantizer-35029753266253 (READ-ONLY COPY).

The authoritative reference and input builder live on the scoring server;
editing this copy changes nothing except your own understanding.
"""

import jax, jax.numpy as jnp
import numpy as np

B, T, D, V = 8, 576, 256, 8192

def _l2_normalize(a, axis=-1, eps=1e-12):
    sq = jnp.sum(a * a, axis=axis, keepdims=True)
    return a * jax.lax.rsqrt(jnp.maximum(sq, eps))

def setup_inputs(seed: int = 0) -> dict:
    key = jax.random.key(seed)
    k1, k2, k3 = jax.random.split(key, 3)
    x = jax.random.normal(k1, (B, T, D), dtype=jnp.float32)
    # glorot_normal for the [V, D] codebook
    codebook = jax.random.normal(k2, (V, D), dtype=jnp.float32) * np.sqrt(2.0 / (V + D)).astype(np.float32)
    ln_gamma = jnp.ones((D,), dtype=jnp.float32)
    ln_beta = jnp.zeros((D,), dtype=jnp.float32)
    # glorot_uniform-ish dense kernel for o: [D, D]
    W_o = jax.random.normal(k3, (D, D), dtype=jnp.float32) * np.sqrt(2.0 / (D + D)).astype(np.float32)
    return {"inputs": x, "codebook": codebook, "ln_gamma": ln_gamma, "ln_beta": ln_beta, "W_o": W_o}

def reference(inputs, codebook, ln_gamma, ln_beta, W_o):
    # _calc_word_id (training=False so dropout is identity)
    query = _l2_normalize(inputs, axis=-1)
    keymat = _l2_normalize(codebook, axis=-1)
    sim = jnp.einsum('btd,vd->btv', query, keymat)
    word_idx = jnp.argmax(sim, axis=-1)
    word_sim = jnp.max(sim, axis=-1)
    # quantize: gather codebook rows
    z = jnp.take(codebook, word_idx, axis=0)
    # straight-through estimator
    output_embeddings = jax.lax.stop_gradient(z - inputs) + inputs
    # LayerNormalization(epsilon=1e-6)
    mean = jnp.mean(output_embeddings, axis=-1, keepdims=True)
    var = jnp.mean(jnp.square(output_embeddings - mean), axis=-1, keepdims=True)
    output_embeddings = (output_embeddings - mean) * jax.lax.rsqrt(var + 1e-6) * ln_gamma + ln_beta
    # Dense o (no bias)
    output_embeddings = jnp.einsum('btd,de->bte', output_embeddings, W_o)
    # training=False path: loss = 0.0
    loss = jnp.float32(0.0)
    return (word_idx, word_sim, output_embeddings, loss)

if __name__ == "__main__":
    import jax
    _d = setup_inputs()
    print(jax.jit(kernel)(*tuple(_d.values())))

</pallas_src>

<mosaic_0001>
#map = affine_map<(d0, d1) -> (0, 0)>
#map1 = affine_map<(d0, d1) -> (0)>
module attributes {stable_mosaic.version = 14 : i64} {
  func.func @k(%arg0: i32, %arg1: i32, %arg2: memref<8192x256xf32, #tpu.memory_space<hbm>>, %arg3: memref<4608xi32, #tpu.memory_space<hbm>>, %arg4: memref<4608x256xf32, #tpu.memory_space<hbm>>, %arg5: memref<144xi32, #tpu.memory_space<vmem>>, %arg6: memref<144x256xf32, #tpu.memory_space<vmem>>, %arg7: memref<!tpu.dma_semaphore, #tpu.memory_space<semaphore_mem>>) attributes {dimension_semantics = [#tpu.dimension_semantics<core_parallel>, #tpu.dimension_semantics<subcore_parallel>], iteration_bounds = array<i64: 2, 16>, scalar_prefetch = 0 : i64, scratch_operands = 3 : i64, tpu.core_type = #tpu.core_type<sc_vector_subcore>, window_params = [{transform_indices = #map}, {transform_indices = #map1}, {transform_indices = #map}]} {
    %mul3A = arith.constant 2 : i32
    %mul3A_0 = arith.muli %arg1, %mul3A : i32
    %add3A = arith.addi %mul3A_0, %arg0 : i32
    %mul3A_1 = arith.constant 144 : i32
    %mul3A_2 = arith.muli %add3A, %mul3A_1 : i32
    "tpu.region"() ({
      %run_scoped3A = tpu.sem_alloc : memref<!tpu.dma_semaphore, #tpu.memory_space<semaphore_mem>>
      %dma_start3A_7 = tpu.memref_slice %arg3[%mul3A_2] : memref<4608xi32, #tpu.memory_space<hbm>> -> memref<144xi32, #tpu.memory_space<hbm>>
      %dma_start3A_8 = tpu.memref_slice %arg3[%mul3A_2] : memref<4608xi32, #tpu.memory_space<hbm>> -> memref<144xi32, #tpu.memory_space<hbm>>
      tpu.enqueue_dma source(%dma_start3A_8 : memref<144xi32, #tpu.memory_space<hbm>>) target(%arg5 : memref<144xi32, #tpu.memory_space<vmem>>) target_semaphore(%run_scoped3A : memref<!tpu.dma_semaphore, #tpu.memory_space<semaphore_mem>>)
      %dma_wait3A_9 = tpu.memref_slice %arg3[%mul3A_2] : memref<4608xi32, #tpu.memory_space<hbm>> -> memref<144xi32, #tpu.memory_space<hbm>>
      %dma_wait3A_10 = tpu.memref_slice %arg3[%mul3A_2] : memref<4608xi32, #tpu.memory_space<hbm>> -> memref<144xi32, #tpu.memory_space<hbm>>
      tpu.wait_dma2 semaphore(%run_scoped3A : memref<!tpu.dma_semaphore, #tpu.memory_space<semaphore_mem>>) src(%dma_wait3A_10 : memref<144xi32, #tpu.memory_space<hbm>>) dst(%arg5 : memref<144xi32, #tpu.memory_space<vmem>>)
      tpu.yield
    }) : () -> ()
    %dma_start3A = arith.constant 0 : i32
    %dma_start3A_3 = arith.constant 0 : i32
    %dma_start3A_4 = tpu.memref_slice %arg2[%dma_start3A, %dma_start3A_3] : memref<8192x256xf32, #tpu.memory_space<hbm>> -> memref<8192x256xf32, #tpu.memory_space<hbm>>
    tpu.enqueue_indirect_dma source(%dma_start3A_4 : memref<8192x256xf32, #tpu.memory_space<hbm>>) target(%arg6 : memref<144x256xf32, #tpu.memory_space<vmem>>) offsets(%arg5 : memref<144xi32, #tpu.memory_space<vmem>>) semaphore(%arg7 : memref<!tpu.dma_semaphore, #tpu.memory_space<semaphore_mem>>)
    %dma_wait3A = arith.constant 0 : i32
    %dma_wait3A_5 = arith.constant 0 : i32
    %dma_wait3A_6 = tpu.memref_slice %arg2[%dma_wait3A, %dma_wait3A_5] : memref<8192x256xf32, #tpu.memory_space<hbm>> -> memref<8192x256xf32, #tpu.memory_space<hbm>>
    tpu.wait_indirect_dma semaphore(%arg7 : memref<!tpu.dma_semaphore, #tpu.memory_space<semaphore_mem>>) src(%dma_wait3A_6 : memref<8192x256xf32, #tpu.memory_space<hbm>>) dst(%arg6 : memref<144x256xf32, #tpu.memory_space<vmem>>)
    "tpu.region"() ({
      %run_scoped3A = tpu.sem_alloc : memref<!tpu.dma_semaphore, #tpu.memory_space<semaphore_mem>>
      %dma_start3A_7 = arith.constant 0 : i32
      %dma_start3A_8 = tpu.memref_slice %arg4[%mul3A_2, %dma_start3A_7] : memref<4608x256xf32, #tpu.memory_space<hbm>> -> memref<144x256xf32, #tpu.memory_space<hbm>>
      %dma_start3A_9 = arith.constant 0 : i32
      %dma_start3A_10 = tpu.memref_slice %arg4[%mul3A_2, %dma_start3A_9] : memref<4608x256xf32, #tpu.memory_space<hbm>> -> memref<144x256xf32, #tpu.memory_space<hbm>>
      tpu.enqueue_dma source(%arg6 : memref<144x256xf32, #tpu.memory_space<vmem>>) target(%dma_start3A_10 : memref<144x256xf32, #tpu.memory_space<hbm>>) target_semaphore(%run_scoped3A : memref<!tpu.dma_semaphore, #tpu.memory_space<semaphore_mem>>)
      %dma_wait3A_11 = arith.constant 0 : i32
      %dma_wait3A_12 = tpu.memref_slice %arg4[%mul3A_2, %dma_wait3A_11] : memref<4608x256xf32, #tpu.memory_space<hbm>> -> memref<144x256xf32, #tpu.memory_space<hbm>>
      %dma_wait3A_13 = arith.constant 0 : i32
      %dma_wait3A_14 = tpu.memref_slice %arg4[%mul3A_2, %dma_wait3A_13] : memref<4608x256xf32, #tpu.memory_space<hbm>> -> memref<144x256xf32, #tpu.memory_space<hbm>>
      tpu.wait_dma2 semaphore(%run_scoped3A : memref<!tpu.dma_semaphore, #tpu.memory_space<semaphore_mem>>) src(%arg6 : memref<144x256xf32, #tpu.memory_space<vmem>>) dst(%dma_wait3A_14 : memref<144x256xf32, #tpu.memory_space<hbm>>)
      tpu.yield
    }) : () -> ()
    return
  }
}

module attributes {stable_mosaic.version = 14 : i64} {
  func.func @_main_body(%arg0: i32, %arg1: memref<2304x256xf32, #tpu.memory_space<vmem>>, %arg2: memref<8192x256xf32, #tpu.memory_space<vmem>>, %arg3: memref<1x256xf32, #tpu.memory_space<vmem>>, %arg4: memref<1x256xf32, #tpu.memory_space<vmem>>, %arg5: memref<256x256xf32, #tpu.memory_space<vmem>>, %arg6: memref<2304x1xi32, #tpu.memory_space<vmem>>, %arg7: memref<2304x1xf32, #tpu.memory_space<vmem>>, %arg8: memref<8192x256xf32, #tpu.memory_space<vmem>>, %arg9: memref<8192x256xf32, #tpu.memory_space<vmem>>) attributes {dimension_semantics = [#tpu.dimension_semantics<arbitrary>], iteration_bounds = array<i64: 2>, scalar_prefetch = 0 : i64, scratch_operands = 1 : i64, tpu.core_type = #tpu.core_type<tc>, window_params = [{transform_indices = @transform_0, window_bounds = array<i64: 2304, 256>}, {pipeline_mode = #tpu.pipeline_mode<synchronous>, transform_indices = @transform_1, window_bounds = array<i64: 8192, 256>}, {pipeline_mode = #tpu.pipeline_mode<synchronous>, transform_indices = @transform_2, window_bounds = array<i64: 1, 256>}, {pipeline_mode = #tpu.pipeline_mode<synchronous>, transform_indices = @transform_3, window_bounds = array<i64: 1, 256>}, {pipeline_mode = #tpu.pipeline_mode<synchronous>, transform_indices = @transform_4, window_bounds = array<i64: 256, 256>}, {transform_indices = @transform_5, window_bounds = array<i64: 2304, 1>}, {transform_indices = @transform_6, window_bounds = array<i64: 2304, 1>}, {pipeline_mode = #tpu.pipeline_mode<synchronous>, transform_indices = @transform_7, window_bounds = array<i64: 8192, 256>}]} {
    %eq3A = arith.constant 0 : i32
    %eq3A_0 = arith.cmpi eq, %arg0, %eq3A : i32
    %convert_element_type3A = arith.extui %eq3A_0 : i1 to i32
    %cond3A = arith.constant 0 : i32
    %cond3A_1 = arith.cmpi ne, %convert_element_type3A, %cond3A : i32
    scf.if %cond3A_1 {
      %get3A_449 = arith.constant 0 : index
      %get3A_450 = arith.constant 0 : index
      %get3A_451 = vector.load %arg2[%get3A_449, %get3A_450] : memref<8192x256xf32, #tpu.memory_space<vmem>>, vector<1024x256xf32>
      %mul3A_452 = arith.mulf %get3A_451, %get3A_451 : vector<1024x256xf32>
      %reduce_sum3A_453 = arith.constant dense<0.000000e+00> : vector<1024xf32>
      %reduce_sum3A_454 = vector.multi_reduction <add>, %mul3A_452, %reduce_sum3A_453 [1] : vector<1024x256xf32> to vector<1024xf32>
      %broadcast_in_dim3A_455 = vector.shape_cast %reduce_sum3A_454 : vector<1024xf32> to vector<1024x1xf32>
      %max3A_456 = arith.constant 9.99999996E-13 : f32
      %max3A_457 = vector.broadcast %max3A_456 : f32 to vector<1024x1xf32>
      %max3A_458 = arith.maximumf %broadcast_in_dim3A_455, %max3A_457 : vector<1024x1xf32>
      %rsqrt3A_459 = math.rsqrt %max3A_458 : vector<1024x1xf32>
      %mul3A_460 = vector.broadcast %rsqrt3A_459 : vector<1024x1xf32> to vector<1024x256xf32>
      %mul3A_461 = arith.mulf %get3A_451, %mul3A_460 : vector<1024x256xf32>
      %swap3A_462 = arith.constant 0 : index
      %swap3A_463 = arith.constant 0 : index
      %swap3A_464 = vector.load %arg9[%swap3A_462, %swap3A_463] : memref<8192x256xf32, #tpu.memory_space<vmem>>, vector<1024x256xf32>
      tpu.vector_store %arg9[%swap3A_462, %swap3A_463], %mul3A_461 {strides = array<i32>} : memref<8192x256xf32, #tpu.memory_space<vmem>>, vector<1024x256xf32>,
      %reduce_sum3A_465 = arith.constant dense<0.000000e+00> : vector<1024xf32>
      %reduce_sum3A_466 = vector.multi_reduction <add>, %get3A_451, %reduce_sum3A_465 [1] : vector<1024x256xf32> to vector<1024xf32>
      %broadcast_in_dim3A_467 = vector.shape_cast %reduce_sum3A_466 : vector<1024xf32> to vector<1024x1xf32>
      %div3A = arith.constant 2.560000e+02 : f32
      %div3A_468 = vector.broadcast %div3A : f32 to vector<1024x1xf32>
      %div3A_469 = arith.divf %broadcast_in_dim3A_467, %div3A_468 : vector<1024x1xf32>
      %sub3A = vector.broadcast %div3A_469 : vector<1024x1xf32> to vector<1024x256xf32>
      %sub3A_470 = arith.subf %get3A_451, %sub3A : vector<1024x256xf32>
      %mul3A_471 = arith.mulf %sub3A_470, %sub3A_470 : vector<1024x256xf32>
      %reduce_sum3A_472 = arith.constant dense<0.000000e+00> : vector<1024xf32>
      %reduce_sum3A_473 = vector.multi_reduction <add>, %mul3A_471, %reduce_sum3A_472 [1] : vector<1024x256xf32> to vector<1024xf32>
      %broadcast_in_dim3A_474 = vector.shape_cast %reduce_sum3A_473 : vector<1024xf32> to vector<1024x1xf32>
      %div3A_475 = arith.constant 2.560000e+02 : f32
      %div3A_476 = vector.broadcast %div3A_475 : f32 to vector<1024x1xf32>
      %div3A_477 = arith.divf %broadcast_in_dim3A_474, %div3A_476 : vector<1024x1xf32>
      %add3A_478 = arith.constant 9.99999997E-7 : f32
      %add3A_479 = vector.broadcast %add3A_478 : f32 to vector<1024x1xf32>
      %add3A_480 = arith.addf %div3A_477, %add3A_479 : vector<1024x1xf32>
      %rsqrt3A_481 = math.rsqrt %add3A_480 : vector<1024x1xf32>
      %mul3A_482 = vector.broadcast %rsqrt3A_481 : vector<1024x1xf32> to vector<1024x256xf32>
      %mul3A_483 = arith.mulf %sub3A_470, %mul3A_482 : vector<1024x256xf32>
      %get3A_484 = arith.constant 0 : index
      %get3A_485 = arith.constant 0 : index
      %get3A_486 = vector.load %arg3[%get3A_484, %get3A_485] : memref<1x256xf32, #tpu.memory_space<vmem>>, vector<1x256xf32>
      %mul3A_487 = vector.broadcast %get3A_486 : vector<1x256xf32> to vector<1024x256xf32>
      %mul3A_488 = arith.mulf %mul3A_483, %mul3A_487 : vector<1024x256xf32>
      %get3A_489 = arith.constant 0 : index
      %get3A_490 = arith.constant 0 : index
      %get3A_491 = vector.load %arg4[%get3A_489, %get3A_490] : memref<1x256xf32, #tpu.memory_space<vmem>>, vector<1x256xf32>
      %add3A_492 = vector.broadcast %get3A_491 : vector<1x256xf32> to vector<1024x256xf32>
      %add3A_493 = arith.addf %mul3A_488, %add3A_492 : vector<1024x256xf32>
      %get3A_494 = arith.constant 0 : index
      %get3A_495 = arith.constant 0 : index
      %get3A_496 = vector.load %arg5[%get3A_494, %get3A_495] : memref<256x256xf32, #tpu.memory_space<vmem>>, vector<256x256xf32>
      %dot_general3A_497 = arith.constant dense<0.000000e+00> : vector<1024x256xf32>
      %dot_general3A_498 = tpu.matmul %add3A_493, %get3A_496, %dot_general3A_497 {dimension_numbers = #tpu.dot_dimension_numbers<[1], [0], [0], [1], [0, 0, 1, 1], [], []>, transpose_lhs_hint = false} : vector<1024x256xf32>, vector<256x256xf32>, vector<1024x256xf32> -> vector<1024x256xf32>
      %swap3A_499 = arith.constant 0 : index
      %swap3A_500 = arith.constant 0 : index
      %swap3A_501 = vector.load %arg8[%swap3A_499, %swap3A_500] : memref<8192x256xf32, #tpu.memory_space<vmem>>, vector<1024x256xf32>
      tpu.vector_store %arg8[%swap3A_499, %swap3A_500], %dot_general3A_498 {strides = array<i32>} : memref<8192x256xf32, #tpu.memory_space<vmem>>, vector<1024x256xf32>,
      %get3A_502 = arith.constant 1024 : index
      %get3A_503 = arith.constant 0 : index
      %get3A_504 = vector.load %arg2[%get3A_502, %get3A_503] : memref<8192x256xf32, #tpu.memory_space<vmem>>, vector<1024x256xf32>
      %mul3A_505 = arith.mulf %get3A_504, %get3A_504 : vector<1024x256xf32>
      %reduce_sum3A_506 = arith.constant dense<0.000000e+00> : vector<1024xf32>
      %reduce_sum3A_507 = vector.multi_reduction <add>, %mul3A_505, %reduce_sum3A_506 [1] : vector<1024x256xf32> to vector<1024xf32>
      %broadcast_in_dim3A_508 = vector.shape_cast %reduce_sum3A_507 : vector<1024xf32> to vector<1024x1xf32>
      %max3A_509 = arith.constant 9.99999996E-13 : f32
      %max3A_510 = vector.broadcast %max3A_509 : f32 to vector<1024x1xf32>
      %max3A_511 = arith.maximumf %broadcast_in_dim3A_508, %max3A_510 : vector<1024x1xf32>
      %rsqrt3A_512 = math.rsqrt %max3A_511 : vector<1024x1xf32>
      %mul3A_513 = vector.broadcast %rsqrt3A_512 : vector<1024x1xf32> to vector<1024x256xf32>
      %mul3A_514 = arith.mulf %get3A_504, %mul3A_513 : vector<1024x256xf32>
      %swap3A_515 = arith.constant 1024 : index
      %swap3A_516 = arith.constant 0 : index
      %swap3A_517 = vector.load %arg9[%swap3A_515, %swap3A_516] : memref<8192x256xf32, #tpu.memory_space<vmem>>, vector<1024x256xf32>
      tpu.vector_store %arg9[%swap3A_515, %swap3A_516], %mul3A_514 {strides = array<i32>} : memref<8192x256xf32, #tpu.memory_space<vmem>>, vector<1024x256xf32>,
      %reduce_sum3A_518 = arith.constant dense<0.000000e+00> : vector<1024xf32>
      %reduce_sum3A_519 = vector.multi_reduction <add>, %get3A_504, %reduce_sum3A_518 [1] : vector<1024x256xf32> to vector<1024xf32>
      %broadcast_in_dim3A_520 = vector.shape_cast %reduce_sum3A_519 : vector<1024xf32> to vector<1024x1xf32>
      %div3A_521 = arith.constant 2.560000e+02 : f32
      %div3A_522 = vector.broadcast %div3A_521 : f32 to vector<1024x1xf32>
      %div3A_523 = arith.divf %broadcast_in_dim3A_520, %div3A_522 : vector<1024x1xf32>
      %sub3A_524 = vector.broadcast %div3A_523 : vector<1024x1xf32> to vector<1024x256xf32>
      %sub3A_525 = arith.subf %get3A_504, %sub3A_524 : vector<1024x256xf32>
      %mul3A_526 = arith.mulf %sub3A_525, %sub3A_525 : vector<1024x256xf32>
      %reduce_sum3A_527 = arith.constant dense<0.000000e+00> : vector<1024xf32>
      %reduce_sum3A_528 = vector.multi_reduction <add>, %mul3A_526, %reduce_sum3A_527 [1] : vector<1024x256xf32> to vector<1024xf32>
      %broadcast_in_dim3A_529 = vector.shape_cast %reduce_sum3A_528 : vector<1024xf32> to vector<1024x1xf32>
      %div3A_530 = arith.constant 2.560000e+02 : f32
      %div3A_531 = vector.broadcast %div3A_530 : f32 to vector<1024x1xf32>
      %div3A_532 = arith.divf %broadcast_in_dim3A_529, %div3A_531 : vector<1024x1xf32>
      %add3A_533 = arith.constant 9.99999997E-7 : f32
      %add3A_534 = vector.broadcast %add3A_533 : f32 to vector<1024x1xf32>
      %add3A_535 = arith.addf %div3A_532, %add3A_534 : vector<1024x1xf32>
      %rsqrt3A_536 = math.rsqrt %add3A_535 : vector<1024x1xf32>
      %mul3A_537 = vector.broadcast %rsqrt3A_536 : vector<1024x1xf32> to vector<1024x256xf32>
      %mul3A_538 = arith.mulf %sub3A_525, %mul3A_537 : vector<1024x256xf32>
      %get3A_539 = arith.constant 0 : index
      %get3A_540 = arith.constant 0 : index
      %get3A_541 = vector.load %arg3[%get3A_539, %get3A_540] : memref<1x256xf32, #tpu.memory_space<vmem>>, vector<1x256xf32>
      %mul3A_542 = vector.broadcast %get3A_541 : vector<1x256xf32> to vector<1024x256xf32>
      %mul3A_543 = arith.mulf %mul3A_538, %mul3A_542 : vector<1024x256xf32>
      %get3A_544 = arith.constant 0 : index
      %get3A_545 = arith.constant 0 : index
      %get3A_546 = vector.load %arg4[%get3A_544, %get3A_545] : memref<1x256xf32, #tpu.memory_space<vmem>>, vector<1x256xf32>
      %add3A_547 = vector.broadcast %get3A_546 : vector<1x256xf32> to vector<1024x256xf32>
      %add3A_548 = arith.addf %mul3A_543, %add3A_547 : vector<1024x256xf32>
      %get3A_549 = arith.constant 0 : index
      %get3A_550 = arith.constant 0 : index
      %get3A_551 = vector.load %arg5[%get3A_549, %get3A_550] : memref<256x256xf32, #tpu.memory_space<vmem>>, vector<256x256xf32>
      %dot_general3A_552 = arith.constant dense<0.000000e+00> : vector<1024x256xf32>
      %dot_general3A_553 = tpu.matmul %add3A_548, %get3A_551, %dot_general3A_552 {dimension_numbers = #tpu.dot_dimension_numbers<[1], [0], [0], [1], [0, 0, 1, 1], [], []>, transpose_lhs_hint = false} : vector<1024x256xf32>, vector<256x256xf32>, vector<1024x256xf32> -> vector<1024x256xf32>
      %swap3A_554 = arith.constant 1024 : index
      %swap3A_555 = arith.constant 0 : index
      %swap3A_556 = vector.load %arg8[%swap3A_554, %swap3A_555] : memref<8192x256xf32, #tpu.memory_space<vmem>>, vector<1024x256xf32>
      tpu.vector_store %arg8[%swap3A_554, %swap3A_555], %dot_general3A_553 {strides = array<i32>} : memref<8192x256xf32, #tpu.memory_space<vmem>>, vector<1024x256xf32>,
      %get3A_557 = arith.constant 2048 : index
      %get3A_558 = arith.constant 0 : index
      %get3A_559 = vector.load %arg2[%get3A_557, %get3A_558] : memref<8192x256xf32, #tpu.memory_space<vmem>>, vector<1024x256xf32>
      %mul3A_560 = arith.mulf %get3A_559, %get3A_559 : vector<1024x256xf32>
      %reduce_sum3A_561 = arith.constant dense<0.000000e+00> : vector<1024xf32>
      %reduce_sum3A_562 = vector.multi_reduction <add>, %mul3A_560, %reduce_sum3A_561 [1] : vector<1024x256xf32> to vector<1024xf32>
      %broadcast_in_dim3A_563 = vector.shape_cast %reduce_sum3A_562 : vector<1024xf32> to vector<1024x1xf32>
      %max3A_564 = arith.constant 9.99999996E-13 : f32
      %max3A_565 = vector.broadcast %max3A_564 : f32 to vector<1024x1xf32>
      %max3A_566 = arith.maximumf %broadcast_in_dim3A_563, %max3A_565 : vector<1024x1xf32>
      %rsqrt3A_567 = math.rsqrt %max3A_566 : vector<1024x1xf32>
      %mul3A_568 = vector.broadcast %rsqrt3A_567 : vector<1024x1xf32> to vector<1024x256xf32>
      %mul3A_569 = arith.mulf %get3A_559, %mul3A_568 : vector<1024x256xf32>
      %swap3A_570 = arith.constant 2048 : index
      %swap3A_571 = arith.constant 0 : index
      %swap3A_572 = vector.load %arg9[%swap3A_570, %swap3A_571] : memref<8192x256xf32, #tpu.memory_space<vmem>>, vector<1024x256xf32>
      tpu.vector_store %arg9[%swap3A_570, %swap3A_571], %mul3A_569 {strides = array<i32>} : memref<8192x256xf32, #tpu.memory_space<vmem>>, vector<1024x256xf32>,
      %reduce_sum3A_573 = arith.constant dense<0.000000e+00> : vector<1024xf32>
      %reduce_sum3A_574 = vector.multi_reduction <add>, %get3A_559, %reduce_sum3A_573 [1] : vector<1024x256xf32> to vector<1024xf32>
      %broadcast_in_dim3A_575 = vector.shape_cast %reduce_sum3A_574 : vector<1024xf32> to vector<1024x1xf32>
      %div3A_576 = arith.constant 2.560000e+02 : f32
      %div3A_577 = vector.broadcast %div3A_576 : f32 to vector<1024x1xf32>
      %div3A_578 = arith.divf %broadcast_in_dim3A_575, %div3A_577 : vector<1024x1xf32>
      %sub3A_579 = vector.broadcast %div3A_578 : vector<1024x1xf32> to vector<1024x256xf32>
      %sub3A_580 = arith.subf %get3A_559, %sub3A_579 : vector<1024x256xf32>
      %mul3A_581 = arith.mulf %sub3A_580, %sub3A_580 : vector<1024x256xf32>
      %reduce_sum3A_582 = arith.constant dense<0.000000e+00> : vector<1024xf32>
      %reduce_sum3A_583 = vector.multi_reduction <add>, %mul3A_581, %reduce_sum3A_582 [1] : vector<1024x256xf32> to vector<1024xf32>
      %broadcast_in_dim3A_584 = vector.shape_cast %reduce_sum3A_583 : vector<1024xf32> to vector<1024x1xf32>
      %div3A_585 = arith.constant 2.560000e+02 : f32
      %div3A_586 = vector.broadcast %div3A_585 : f32 to vector<1024x1xf32>
      %div3A_587 = arith.divf %broadcast_in_dim3A_584, %div3A_586 : vector<1024x1xf32>
      %add3A_588 = arith.constant 9.99999997E-7 : f32
      %add3A_589 = vector.broadcast %add3A_588 : f32 to vector<1024x1xf32>
      %add3A_590 = arith.addf %div3A_587, %add3A_589 : vector<1024x1xf32>
      %rsqrt3A_591 = math.rsqrt %add3A_590 : vector<1024x1xf32>
      %mul3A_592 = vector.broadcast %rsqrt3A_591 : vector<1024x1xf32> to vector<1024x256xf32>
      %mul3A_593 = arith.mulf %sub3A_580, %mul3A_592 : vector<1024x256xf32>
      %get3A_594 = arith.constant 0 : index
      %get3A_595 = arith.constant 0 : index
      %get3A_596 = vector.load %arg3[%get3A_594, %get3A_595] : memref<1x256xf32, #tpu.memory_space<vmem>>, vector<1x256xf32>
      %mul3A_597 = vector.broadcast %get3A_596 : vector<1x256xf32> to vector<1024x256xf32>
      %mul3A_598 = arith.mulf %mul3A_593, %mul3A_597 : vector<1024x256xf32>
      %get3A_599 = arith.constant 0 : index
      %get3A_600 = arith.constant 0 : index
      %get3A_601 = vector.load %arg4[%get3A_599, %get3A_600] : memref<1x256xf32, #tpu.memory_space<vmem>>, vector<1x256xf32>
      %add3A_602 = vector.broadcast %get3A_601 : vector<1x256xf32> to vector<1024x256xf32>
      %add3A_603 = arith.addf %mul3A_598, %add3A_602 : vector<1024x256xf32>
      %get3A_604 = arith.constant 0 : index
      %get3A_605 = arith.constant 0 : index
      %get3A_606 = vector.load %arg5[%get3A_604, %get3A_605] : memref<256x256xf32, #tpu.memory_space<vmem>>, vector<256x256xf32>
      %dot_general3A_607 = arith.constant dense<0.000000e+00> : vector<1024x256xf32>
      %dot_general3A_608 = tpu.matmul %add3A_603, %get3A_606, %dot_general3A_607 {dimension_numbers = #tpu.dot_dimension_numbers<[1], [0], [0], [1], [0, 0, 1, 1], [], []>, transpose_lhs_hint = false} : vector<1024x256xf32>, vector<256x256xf32>, vector<1024x256xf32> -> vector<1024x256xf32>
      %swap3A_609 = arith.constant 2048 : index
      %swap3A_610 = arith.constant 0 : index
      %swap3A_611 = vector.load %arg8[%swap3A_609, %swap3A_610] : memref<8192x256xf32, #tpu.memory_space<vmem>>, vector<1024x256xf32>
      tpu.vector_store %arg8[%swap3A_609, %swap3A_610], %dot_general3A_608 {strides = array<i32>} : memref<8192x256xf32, #tpu.memory_space<vmem>>, vector<1024x256xf32>,
      %get3A_612 = arith.constant 3072 : index
      %get3A_613 = arith.constant 0 : index
      %get3A_614 = vector.load %arg2[%get3A_612, %get3A_613] : memref<8192x256xf32, #tpu.memory_space<vmem>>, vector<1024x256xf32>
      %mul3A_615 = arith.mulf %get3A_614, %get3A_614 : vector<1024x256xf32>
      %reduce_sum3A_616 = arith.constant dense<0.000000e+00> : vector<1024xf32>
      %reduce_sum3A_617 = vector.multi_reduction <add>, %mul3A_615, %reduce_sum3A_616 [1] : vector<1024x256xf32> to vector<1024xf32>
      %broadcast_in_dim3A_618 = vector.shape_cast %reduce_sum3A_617 : vector<1024xf32> to vector<1024x1xf32>
      %max3A_619 = arith.constant 9.99999996E-13 : f32
      %max3A_620 = vector.broadcast %max3A_619 : f32 to vector<1024x1xf32>
      %max3A_621 = arith.maximumf %broadcast_in_dim3A_618, %max3A_620 : vector<1024x1xf32>
      %rsqrt3A_622 = math.rsqrt %max3A_621 : vector<1024x1xf32>
      %mul3A_623 = vector.broadcast %rsqrt3A_622 : vector<1024x1xf32> to vector<1024x256xf32>
      %mul3A_624 = arith.mulf %get3A_614, %mul3A_623 : vector<1024x256xf32>
      %swap3A_625 = arith.constant 3072 : index
      %swap3A_626 = arith.constant 0 : index
      %swap3A_627 = vector.load %arg9[%swap3A_625, %swap3A_626] : memref<8192x256xf32, #tpu.memory_space<vmem>>, vector<1024x256xf32>
      tpu.vector_store %arg9[%swap3A_625, %swap3A_626], %mul3A_624 {strides = array<i32>} : memref<8192x256xf32, #tpu.memory_space<vmem>>, vector<1024x256xf32>,
      %reduce_sum3A_628 = arith.constant dense<0.000000e+00> : vector<1024xf32>
      %reduce_sum3A_629 = vector.multi_reduction <add>, %get3A_614, %reduce_sum3A_628 [1] : vector<1024x256xf32> to vector<1024xf32>
      %broadcast_in_dim3A_630 = vector.shape_cast %reduce_sum3A_629 : vector<1024xf32> to vector<1024x1xf32>
      %div3A_631 = arith.constant 2.560000e+02 : f32
      %div3A_632 = vector.broadcast %div3A_631 : f32 to vector<1024x1xf32>
      %div3A_633 = arith.divf %broadcast_in_dim3A_630, %div3A_632 : vector<1024x1xf32>
      %sub3A_634 = vector.broadcast %div3A_633 : vector<1024x1xf32> to vector<1024x256xf32>
      %sub3A_635 = arith.subf %get3A_614, %sub3A_634 : vector<1024x256xf32>
      %mul3A_636 = arith.mulf %sub3A_635, %sub3A_635 : vector<1024x256xf32>
      %reduce_sum3A_637 = arith.constant dense<0.000000e+00> : vector<1024xf32>
      %reduce_sum3A_638 = vector.multi_reduction <add>, %mul3A_636, %reduce_sum3A_637 [1] : vector<1024x256xf32> to vector<1024xf32>
      %broadcast_in_dim3A_639 = vector.shape_cast %reduce_sum3A_638 : vector<1024xf32> to vector<1024x1xf32>
      %div3A_640 = arith.constant 2.560000e+02 : f32
      %div3A_641 = vector.broadcast %div3A_640 : f32 to vector<1024x1xf32>
      %div3A_642 = arith.divf %broadcast_in_dim3A_639, %div3A_641 : vector<1024x1xf32>
      %add3A_643 = arith.constant 9.99999997E-7 : f32
      %add3A_644 = vector.broadcast %add3A_643 : f32 to vector<1024x1xf32>
      %add3A_645 = arith.addf %div3A_642, %add3A_644 : vector<1024x1xf32>
      %rsqrt3A_646 = math.rsqrt %add3A_645 : vector<1024x1xf32>
      %mul3A_647 = vector.broadcast %rsqrt3A_646 : vector<1024x1xf32> to vector<1024x256xf32>
      %mul3A_648 = arith.mulf %sub3A_635, %mul3A_647 : vector<1024x256xf32>
      %get3A_649 = arith.constant 0 : index
      %get3A_650 = arith.constant 0 : index
      %get3A_651 = vector.load %arg3[%get3A_649, %get3A_650] : memref<1x256xf32, #tpu.memory_space<vmem>>, vector<1x256xf32>
      %mul3A_652 = vector.broadcast %get3A_651 : vector<1x256xf32> to vector<1024x256xf32>
      %mul3A_653 = arith.mulf %mul3A_648, %mul3A_652 : vector<1024x256xf32>
      %get3A_654 = arith.constant 0 : index
      %get3A_655 = arith.constant 0 : index
      %get3A_656 = vector.load %arg4[%get3A_654, %get3A_655] : memref<1x256xf32, #tpu.memory_space<vmem>>, vector<1x256xf32>
      %add3A_657 = vector.broadcast %get3A_656 : vector<1x256xf32> to vector<1024x256xf32>
      %add3A_658 = arith.addf %mul3A_653, %add3A_657 : vector<1024x256xf32>
      %get3A_659 = arith.constant 0 : index
      %get3A_660 = arith.constant 0 : index
      %get3A_661 = vector.load %arg5[%get3A_659, %get3A_660] : memref<256x256xf32, #tpu.memory_space<vmem>>, vector<256x256xf32>
      %dot_general3A_662 = arith.constant dense<0.000000e+00> : vector<1024x256xf32>
      %dot_general3A_663 = tpu.matmul %add3A_658, %get3A_661, %dot_general3A_662 {dimension_numbers = #tpu.dot_dimension_numbers<[1], [0], [0], [1], [0, 0, 1, 1], [], []>, transpose_lhs_hint = false} : vector<1024x256xf32>, vector<256x256xf32>, vector<1024x256xf32> -> vector<1024x256xf32>
      %swap3A_664 = arith.constant 3072 : index
      %swap3A_665 = arith.constant 0 : index
      %swap3A_666 = vector.load %arg8[%swap3A_664, %swap3A_665] : memref<8192x256xf32, #tpu.memory_space<vmem>>, vector<1024x256xf32>
      tpu.vector_store %arg8[%swap3A_664, %swap3A_665], %dot_general3A_663 {strides = array<i32>} : memref<8192x256xf32, #tpu.memory_space<vmem>>, vector<1024x256xf32>,
      %get3A_667 = arith.constant 4096 : index
      %get3A_668 = arith.constant 0 : index
      %get3A_669 = vector.load %arg2[%get3A_667, %get3A_668] : memref<8192x256xf32, #tpu.memory_space<vmem>>, vector<1024x256xf32>
      %mul3A_670 = arith.mulf %get3A_669, %get3A_669 : vector<1024x256xf32>
      %reduce_sum3A_671 = arith.constant dense<0.000000e+00> : vector<1024xf32>
      %reduce_sum3A_672 = vector.multi_reduction <add>, %mul3A_670, %reduce_sum3A_671 [1] : vector<1024x256xf32> to vector<1024xf32>
      %broadcast_in_dim3A_673 = vector.shape_cast %reduce_sum3A_672 : vector<1024xf32> to vector<1024x1xf32>
      %max3A_674 = arith.constant 9.99999996E-13 : f32
      %max3A_675 = vector.broadcast %max3A_674 : f32 to vector<1024x1xf32>
      %max3A_676 = arith.maximumf %broadcast_in_dim3A_673, %max3A_675 : vector<1024x1xf32>
      %rsqrt3A_677 = math.rsqrt %max3A_676 : vector<1024x1xf32>
      %mul3A_678 = vector.broadcast %rsqrt3A_677 : vector<1024x1xf32> to vector<1024x256xf32>
      %mul3A_679 = arith.mulf %get3A_669, %mul3A_678 : vector<1024x256xf32>
      %swap3A_680 = arith.constant 4096 : index
      %swap3A_681 = arith.constant 0 : index
      %swap3A_682 = vector.load %arg9[%swap3A_680, %swap3A_681] : memref<8192x256xf32, #tpu.memory_space<vmem>>, vector<1024x256xf32>
      tpu.vector_store %arg9[%swap3A_680, %swap3A_681], %mul3A_679 {strides = array<i32>} : memref<8192x256xf32, #tpu.memory_space<vmem>>, vector<1024x256xf32>,
      %reduce_sum3A_683 = arith.constant dense<0.000000e+00> : vector<1024xf32>
      %reduce_sum3A_684 = vector.multi_reduction <add>, %get3A_669, %reduce_sum3A_683 [1] : vector<1024x256xf32> to vector<1024xf32>
      %broadcast_in_dim3A_685 = vector.shape_cast %reduce_sum3A_684 : vector<1024xf32> to vector<1024x1xf32>
      %div3A_686 = arith.constant 2.560000e+02 : f32
      %div3A_687 = vector.broadcast %div3A_686 : f32 to vector<1024x1xf32>
      %div3A_688 = arith.divf %broadcast_in_dim3A_685, %div3A_687 : vector<1024x1xf32>
      %sub3A_689 = vector.broadcast %div3A_688 : vector<1024x1xf32> to vector<1024x256xf32>
      %sub3A_690 = arith.subf %get3A_669, %sub3A_689 : vector<1024x256xf32>
      %mul3A_691 = arith.mulf %sub3A_690, %sub3A_690 : vector<1024x256xf32>
      %reduce_sum3A_692 = arith.constant dense<0.000000e+00> : vector<1024xf32>
      %reduce_sum3A_693 = vector.multi_reduction <add>, %mul3A_691, %reduce_sum3A_692 [1] : vector<1024x256xf32> to vector<1024xf32>
      %broadcast_in_dim3A_694 = vector.shape_cast %reduce_sum3A_693 : vector<1024xf32> to vector<1024x1xf32>
      %div3A_695 = arith.constant 2.560000e+02 : f32
      %div3A_696 = vector.broadcast %div3A_695 : f32 to vector<1024x1xf32>
      %div3A_697 = arith.divf %broadcast_in_dim3A_694, %div3A_696 : vector<1024x1xf32>
      %add3A_698 = arith.constant 9.99999997E-7 : f32
      %add3A_699 = vector.broadcast %add3A_698 : f32 to vector<1024x1xf32>
      %add3A_700 = arith.addf %div3A_697, %add3A_699 : vector<1024x1xf32>
      %rsqrt3A_701 = math.rsqrt %add3A_700 : vector<1024x1xf32>
      %mul3A_702 = vector.broadcast %rsqrt3A_701 : vector<1024x1xf32> to vector<1024x256xf32>
      %mul3A_703 = arith.mulf %sub3A_690, %mul3A_702 : vector<1024x256xf32>
      %get3A_704 = arith.constant 0 : index
      %get3A_705 = arith.constant 0 : index
      %get3A_706 = vector.load %arg3[%get3A_704, %get3A_705] : memref<1x256xf32, #tpu.memory_space<vmem>>, vector<1x256xf32>
      %mul3A_707 = vector.broadcast %get3A_706 : vector<1x256xf32> to vector<1024x256xf32>
      %mul3A_708 = arith.mulf %mul3A_703, %mul3A_707 : vector<1024x256xf32>
      %get3A_709 = arith.constant 0 : index
      %get3A_710 = arith.constant 0 : index
      %get3A_711 = vector.load %arg4[%get3A_709, %get3A_710] : memref<1x256xf32, #tpu.memory_space<vmem>>, vector<1x256xf32>
      %add3A_712 = vector.broadcast %get3A_711 : vector<1x256xf32> to vector<1024x256xf32>
      %add3A_713 = arith.addf %mul3A_708, %add3A_712 : vector<1024x256xf32>
      %get3A_714 = arith.constant 0 : index
      %get3A_715 = arith.constant 0 : index
      %get3A_716 = vector.load %arg5[%get3A_714, %get3A_715] : memref<256x256xf32, #tpu.memory_space<vmem>>, vector<256x256xf32>
      %dot_general3A_717 = arith.constant dense<0.000000e+00> : vector<1024x256xf32>
      %dot_general3A_718 = tpu.matmul %add3A_713, %get3A_716, %dot_general3A_717 {dimension_numbers = #tpu.dot_dimension_numbers<[1], [0], [0], [1], [0, 0, 1, 1], [], []>, transpose_lhs_hint = false} : vector<1024x256xf32>, vector<256x256xf32>, vector<1024x256xf32> -> vector<1024x256xf32>
      %swap3A_719 = arith.constant 4096 : index
      %swap3A_720 = arith.constant 0 : index
      %swap3A_721 = vector.load %arg8[%swap3A_719, %swap3A_720] : memref<8192x256xf32, #tpu.memory_space<vmem>>, vector<1024x256xf32>
      tpu.vector_store %arg8[%swap3A_719, %swap3A_720], %dot_general3A_718 {strides = array<i32>} : memref<8192x256xf32, #tpu.memory_space<vmem>>, vector<1024x256xf32>,
      %get3A_722 = arith.constant 5120 : index
      %get3A_723 = arith.constant 0 : index
      %get3A_724 = vector.load %arg2[%get3A_722, %get3A_723] : memref<8192x256xf32, #tpu.memory_space<vmem>>, vector<1024x256xf32>
      %mul3A_725 = arith.mulf %get3A_724, %get3A_724 : vector<1024x256xf32>
      %reduce_sum3A_726 = arith.constant dense<0.000000e+00> : vector<1024xf32>
      %reduce_sum3A_727 = vector.multi_reduction <add>, %mul3A_725, %reduce_sum3A_726 [1] : vector<1024x256xf32> to vector<1024xf32>
      %broadcast_in_dim3A_728 = vector.shape_cast %reduce_sum3A_727 : vector<1024xf32> to vector<1024x1xf32>
      %max3A_729 = arith.constant 9.99999996E-13 : f32
      %max3A_730 = vector.broadcast %max3A_729 : f32 to vector<1024x1xf32>
      %max3A_731 = arith.maximumf %broadcast_in_dim3A_728, %max3A_730 : vector<1024x1xf32>
      %rsqrt3A_732 = math.rsqrt %max3A_731 : vector<1024x1xf32>
      %mul3A_733 = vector.broadcast %rsqrt3A_732 : vector<1024x1xf32> to vector<1024x256xf32>
      %mul3A_734 = arith.mulf %get3A_724, %mul3A_733 : vector<1024x256xf32>
      %swap3A_735 = arith.constant 5120 : index
      %swap3A_736 = arith.constant 0 : index
      %swap3A_737 = vector.load %arg9[%swap3A_735, %swap3A_736] : memref<8192x256xf32, #tpu.memory_space<vmem>>, vector<1024x256xf32>
      tpu.vector_store %arg9[%swap3A_735, %swap3A_736], %mul3A_734 {strides = array<i32>} : memref<8192x256xf32, #tpu.memory_space<vmem>>, vector<1024x256xf32>,
      %reduce_sum3A_738 = arith.constant dense<0.000000e+00> : vector<1024xf32>
      %reduce_sum3A_739 = vector.multi_reduction <add>, %get3A_724, %reduce_sum3A_738 [1] : vector<1024x256xf32> to vector<1024xf32>
      %broadcast_in_dim3A_740 = vector.shape_cast %reduce_sum3A_739 : vector<1024xf32> to vector<1024x1xf32>
      %div3A_741 = arith.constant 2.560000e+02 : f32
      %div3A_742 = vector.broadcast %div3A_741 : f32 to vector<1024x1xf32>
      %div3A_743 = arith.divf %broadcast_in_dim3A_740, %div3A_742 : vector<1024x1xf32>
      %sub3A_744 = vector.broadcast %div3A_743 : vector<1024x1xf32> to vector<1024x256xf32>
      %sub3A_745 = arith.subf %get3A_724, %sub3A_744 : vector<1024x256xf32>
      %mul3A_746 = arith.mulf %sub3A_745, %sub3A_745 : vector<1024x256xf32>
      %reduce_sum3A_747 = arith.constant dense<0.000000e+00> : vector<1024xf32>
      %reduce_sum3A_748 = vector.multi_reduction <add>, %mul3A_746, %reduce_sum3A_747 [1] : vector<1024x256xf32> to vector<1024xf32>
      %broadcast_in_dim3A_749 = vector.shape_cast %reduce_sum3A_748 : vector<1024xf32> to vector<1024x1xf32>
      %div3A_750 = arith.constant 2.560000e+02 : f32
      %div3A_751 = vector.broadcast %div3A_750 : f32 to vector<1024x1xf32>
      %div3A_752 = arith.divf %broadcast_in_dim3A_749, %div3A_751 : vector<1024x1xf32>
      %add3A_753 = arith.constant 9.99999997E-7 : f32
      %add3A_754 = vector.broadcast %add3A_753 : f32 to vector<1024x1xf32>
      %add3A_755 = arith.addf %div3A_752, %add3A_754 : vector<1024x1xf32>
      %rsqrt3A_756 = math.rsqrt %add3A_755 : vector<1024x1xf32>
      %mul3A_757 = vector.broadcast %rsqrt3A_756 : vector<1024x1xf32> to vector<1024x256xf32>
      %mul3A_758 = arith.mulf %sub3A_745, %mul3A_757 : vector<1024x256xf32>
      %get3A_759 = arith.constant 0 : index
      %get3A_760 = arith.constant 0 : index
      %get3A_761 = vector.load %arg3[%get3A_759, %get3A_760] : memref<1x256xf32, #tpu.memory_space<vmem>>, vector<1x256xf32>
      %mul3A_762 = vector.broadcast %get3A_761 : vector<1x256xf32> to vector<1024x256xf32>
      %mul3A_763 = arith.mulf %mul3A_758, %mul3A_762 : vector<1024x256xf32>
      %get3A_764 = arith.constant 0 : index
      %get3A_765 = arith.constant 0 : index
      %get3A_766 = vector.load %arg4[%get3A_764, %get3A_765] : memref<1x256xf32, #tpu.memory_space<vmem>>, vector<1x256xf32>
      %add3A_767 = vector.broadcast %get3A_766 : vector<1x256xf32> to vector<1024x256xf32>
      %add3A_768 = arith.addf %mul3A_763, %add3A_767 : vector<1024x256xf32>
      %get3A_769 = arith.constant 0 : index
      %get3A_770 = arith.constant 0 : index
      %get3A_771 = vector.load %arg5[%get3A_769, %get3A_770] : memref<256x256xf32, #tpu.memory_space<vmem>>, vector<256x256xf32>
      %dot_general3A_772 = arith.constant dense<0.000000e+00> : vector<1024x256xf32>
      %dot_general3A_773 = tpu.matmul %add3A_768, %get3A_771, %dot_general3A_772 {dimension_numbers = #tpu.dot_dimension_numbers<[1], [0], [0], [1], [0, 0, 1, 1], [], []>, transpose_lhs_hint = false} : vector<1024x256xf32>, vector<256x256xf32>, vector<1024x256xf32> -> vector<1024x256xf32>
      %swap3A_774 = arith.constant 5120 : index
      %swap3A_775 = arith.constant 0 : index
      %swap3A_776 = vector.load %arg8[%swap3A_774, %swap3A_775] : memref<8192x256xf32, #tpu.memory_space<vmem>>, vector<1024x256xf32>
      tpu.vector_store %arg8[%swap3A_774, %swap3A_775], %dot_general3A_773 {strides = array<i32>} : memref<8192x256xf32, #tpu.memory_space<vmem>>, vector<1024x256xf32>,
      %get3A_777 = arith.constant 6144 : index
      %get3A_778 = arith.constant 0 : index
      %get3A_779 = vector.load %arg2[%get3A_777, %get3A_778] : memref<8192x256xf32, #tpu.memory_space<vmem>>, vector<1024x256xf32>
      %mul3A_780 = arith.mulf %get3A_779, %get3A_779 : vector<1024x256xf32>
      %reduce_sum3A_781 = arith.constant dense<0.000000e+00> : vector<1024xf32>
      %reduce_sum3A_782 = vector.multi_reduction <add>, %mul3A_780, %reduce_sum3A_781 [1] : vector<1024x256xf32> to vector<1024xf32>
      %broadcast_in_dim3A_783 = vector.shape_cast %reduce_sum3A_782 : vector<1024xf32> to vector<1024x1xf32>
      %max3A_784 = arith.constant 9.99999996E-13 : f32
      %max3A_785 = vector.broadcast %max3A_784 : f32 to vector<1024x1xf32>
      %max3A_786 = arith.maximumf %broadcast_in_dim3A_783, %max3A_785 : vector<1024x1xf32>
      %rsqrt3A_787 = math.rsqrt %max3A_786 : vector<1024x1xf32>
      %mul3A_788 = vector.broadcast %rsqrt3A_787 : vector<1024x1xf32> to vector<1024x256xf32>
      %mul3A_789 = arith.mulf %get3A_779, %mul3A_788 : vector<1024x256xf32>
      %swap3A_790 = arith.constant 6144 : index
      %swap3A_791 = arith.constant 0 : index
      %swap3A_792 = vector.load %arg9[%swap3A_790, %swap3A_791] : memref<8192x256xf32, #tpu.memory_space<vmem>>, vector<1024x256xf32>
      tpu.vector_store %arg9[%swap3A_790, %swap3A_791], %mul3A_789 {strides = array<i32>} : memref<8192x256xf32, #tpu.memory_space<vmem>>, vector<1024x256xf32>,
      %reduce_sum3A_793 = arith.constant dense<0.000000e+00> : vector<1024xf32>
      %reduce_sum3A_794 = vector.multi_reduction <add>, %get3A_779, %reduce_sum3A_793 [1] : vector<1024x256xf32> to vector<1024xf32>
      %broadcast_in_dim3A_795 = vector.shape_cast %reduce_sum3A_794 : vector<1024xf32> to vector<1024x1xf32>
      %div3A_796 = arith.constant 2.560000e+02 : f32
      %div3A_797 = vector.broadcast %div3A_796 : f32 to vector<1024x1xf32>
      %div3A_798 = arith.divf %broadcast_in_dim3A_795, %div3A_797 : vector<1024x1xf32>
      %sub3A_799 = vector.broadcast %div3A_798 : vector<1024x1xf32> to vector<1024x256xf32>
      %sub3A_800 = arith.subf %get3A_779, %sub3A_799 : vector<1024x256xf32>
      %mul3A_801 = arith.mulf %sub3A_800, %sub3A_800 : vector<1024x256xf32>
      %reduce_sum3A_802 = arith.constant dense<0.000000e+00> : vector<1024xf32>
      %reduce_sum3A_803 = vector.multi_reduction <add>, %mul3A_801, %reduce_sum3A_802 [1] : vector<1024x256xf32> to vector<1024xf32>
      %broadcast_in_dim3A_804 = vector.shape_cast %reduce_sum3A_803 : vector<1024xf32> to vector<1024x1xf32>
      %div3A_805 = arith.constant 2.560000e+02 : f32
      %div3A_806 = vector.broadcast %div3A_805 : f32 to vector<1024x1xf32>
      %div3A_807 = arith.divf %broadcast_in_dim3A_804, %div3A_806 : vector<1024x1xf32>
      %add3A_808 = arith.constant 9.99999997E-7 : f32
      %add3A_809 = vector.broadcast %add3A_808 : f32 to vector<1024x1xf32>
      %add3A_810 = arith.addf %div3A_807, %add3A_809 : vector<1024x1xf32>
      %rsqrt3A_811 = math.rsqrt %add3A_810 : vector<1024x1xf32>
      %mul3A_812 = vector.broadcast %rsqrt3A_811 : vector<1024x1xf32> to vector<1024x256xf32>
      %mul3A_813 = arith.mulf %sub3A_800, %mul3A_812 : vector<1024x256xf32>
      %get3A_814 = arith.constant 0 : index
      %get3A_815 = arith.constant 0 : index
      %get3A_816 = vector.load %arg3[%get3A_814, %get3A_815] : memref<1x256xf32, #tpu.memory_space<vmem>>, vector<1x256xf32>
      %mul3A_817 = vector.broadcast %get3A_816 : vector<1x256xf32> to vector<1024x256xf32>
      %mul3A_818 = arith.mulf %mul3A_813, %mul3A_817 : vector<1024x256xf32>
      %get3A_819 = arith.constant 0 : index
      %get3A_820 = arith.constant 0 : index
      %get3A_821 = vector.load %arg4[%get3A_819, %get3A_820] : memref<1x256xf32, #tpu.memory_space<vmem>>, vector<1x256xf32>
      %add3A_822 = vector.broadcast %get3A_821 : vector<1x256xf32> to vector<1024x256xf32>
      %add3A_823 = arith.addf %mul3A_818, %add3A_822 : vector<1024x256xf32>
      %get3A_824 = arith.constant 0 : index
      %get3A_825 = arith.constant 0 : index
      %get3A_826 = vector.load %arg5[%get3A_824, %get3A_825] : memref<256x256xf32, #tpu.memory_space<vmem>>, vector<256x256xf32>
      %dot_general3A_827 = arith.constant dense<0.000000e+00> : vector<1024x256xf32>
      %dot_general3A_828 = tpu.matmul %add3A_823, %get3A_826, %dot_general3A_827 {dimension_numbers = #tpu.dot_dimension_numbers<[1], [0], [0], [1], [0, 0, 1, 1], [], []>, transpose_lhs_hint = false} : vector<1024x256xf32>, vector<256x256xf32>, vector<1024x256xf32> -> vector<1024x256xf32>
      %swap3A_829 = arith.constant 6144 : index
      %swap3A_830 = arith.constant 0 : index
      %swap3A_831 = vector.load %arg8[%swap3A_829, %swap3A_830] : memref<8192x256xf32, #tpu.memory_space<vmem>>, vector<1024x256xf32>
      tpu.vector_store %arg8[%swap3A_829, %swap3A_830], %dot_general3A_828 {strides = array<i32>} : memref<8192x256xf32, #tpu.memory_space<vmem>>, vector<1024x256xf32>,
      %get3A_832 = arith.constant 7168 : index
      %get3A_833 = arith.constant 0 : index
      %get3A_834 = vector.load %arg2[%get3A_832, %get3A_833] : memref<8192x256xf32, #tpu.memory_space<vmem>>, vector<1024x256xf32>
      %mul3A_835 = arith.mulf %get3A_834, %get3A_834 : vector<1024x256xf32>
      %reduce_sum3A_836 = arith.constant dense<0.000000e+00> : vector<1024xf32>
      %reduce_sum3A_837 = vector.multi_reduction <add>, %mul3A_835, %reduce_sum3A_836 [1] : vector<1024x256xf32> to vector<1024xf32>
      %broadcast_in_dim3A_838 = vector.shape_cast %reduce_sum3A_837 : vector<1024xf32> to vector<1024x1xf32>
      %max3A_839 = arith.constant 9.99999996E-13 : f32
      %max3A_840 = vector.broadcast %max3A_839 : f32 to vector<1024x1xf32>
      %max3A_841 = arith.maximumf %broadcast_in_dim3A_838, %max3A_840 : vector<1024x1xf32>
      %rsqrt3A_842 = math.rsqrt %max3A_841 : vector<1024x1xf32>
      %mul3A_843 = vector.broadcast %rsqrt3A_842 : vector<1024x1xf32> to vector<1024x256xf32>
      %mul3A_844 = arith.mulf %get3A_834, %mul3A_843 : vector<1024x256xf32>
      %swap3A_845 = arith.constant 7168 : index
      %swap3A_846 = arith.constant 0 : index
      %swap3A_847 = vector.load %arg9[%swap3A_845, %swap3A_846] : memref<8192x256xf32, #tpu.memory_space<vmem>>, vector<1024x256xf32>
      tpu.vector_store %arg9[%swap3A_845, %swap3A_846], %mul3A_844 {strides = array<i32>} : memref<8192x256xf32, #tpu.memory_space<vmem>>, vector<1024x256xf32>,
      %reduce_sum3A_848 = arith.constant dense<0.000000e+00> : vector<1024xf32>
      %reduce_sum3A_849 = vector.multi_reduction <add>, %get3A_834, %reduce_sum3A_848 [1] : vector<1024x256xf32> to vector<1024xf32>
      %broadcast_in_dim3A_850 = vector.shape_cast %reduce_sum3A_849 : vector<1024xf32> to vector<1024x1xf32>
      %div3A_851 = arith.constant 2.560000e+02 : f32
      %div3A_852 = vector.broadcast %div3A_851 : f32 to vector<1024x1xf32>
      %div3A_853 = arith.divf %broadcast_in_dim3A_850, %div3A_852 : vector<1024x1xf32>
      %sub3A_854 = vector.broadcast %div3A_853 : vector<1024x1xf32> to vector<1024x256xf32>
      %sub3A_855 = arith.subf %get3A_834, %sub3A_854 : vector<1024x256xf32>
      %mul3A_856 = arith.mulf %sub3A_855, %sub3A_855 : vector<1024x256xf32>
      %reduce_sum3A_857 = arith.constant dense<0.000000e+00> : vector<1024xf32>
      %reduce_sum3A_858 = vector.multi_reduction <add>, %mul3A_856, %reduce_sum3A_857 [1] : vector<1024x256xf32> to vector<1024xf32>
      %broadcast_in_dim3A_859 = vector.shape_cast %reduce_sum3A_858 : vector<1024xf32> to vector<1024x1xf32>
      %div3A_860 = arith.constant 2.560000e+02 : f32
      %div3A_861 = vector.broadcast %div3A_860 : f32 to vector<1024x1xf32>
      %div3A_862 = arith.divf %broadcast_in_dim3A_859, %div3A_861 : vector<1024x1xf32>
      %add3A_863 = arith.constant 9.99999997E-7 : f32
      %add3A_864 = vector.broadcast %add3A_863 : f32 to vector<1024x1xf32>
      %add3A_865 = arith.addf %div3A_862, %add3A_864 : vector<1024x1xf32>
      %rsqrt3A_866 = math.rsqrt %add3A_865 : vector<1024x1xf32>
      %mul3A_867 = vector.broadcast %rsqrt3A_866 : vector<1024x1xf32> to vector<1024x256xf32>
      %mul3A_868 = arith.mulf %sub3A_855, %mul3A_867 : vector<1024x256xf32>
      %get3A_869 = arith.constant 0 : index
      %get3A_870 = arith.constant 0 : index
      %get3A_871 = vector.load %arg3[%get3A_869, %get3A_870] : memref<1x256xf32, #tpu.memory_space<vmem>>, vector<1x256xf32>
      %mul3A_872 = vector.broadcast %get3A_871 : vector<1x256xf32> to vector<1024x256xf32>
      %mul3A_873 = arith.mulf %mul3A_868, %mul3A_872 : vector<1024x256xf32>
      %get3A_874 = arith.constant 0 : index
      %get3A_875 = arith.constant 0 : index
      %get3A_876 = vector.load %arg4[%get3A_874, %get3A_875] : memref<1x256xf32, #tpu.memory_space<vmem>>, vector<1x256xf32>
      %add3A_877 = vector.broadcast %get3A_876 : vector<1x256xf32> to vector<1024x256xf32>
      %add3A_878 = arith.addf %mul3A_873, %add3A_877 : vector<1024x256xf32>
      %get3A_879 = arith.constant 0 : index
      %get3A_880 = arith.constant 0 : index
      %get3A_881 = vector.load %arg5[%get3A_879, %get3A_880] : memref<256x256xf32, #tpu.memory_space<vmem>>, vector<256x256xf32>
      %dot_general3A_882 = arith.constant dense<0.000000e+00> : vector<1024x256xf32>
      %dot_general3A_883 = tpu.matmul %add3A_878, %get3A_881, %dot_general3A_882 {dimension_numbers = #tpu.dot_dimension_numbers<[1], [0], [0], [1], [0, 0, 1, 1], [], []>, transpose_lhs_hint = false} : vector<1024x256xf32>, vector<256x256xf32>, vector<1024x256xf32> -> vector<1024x256xf32>
      %swap3A_884 = arith.constant 7168 : index
      %swap3A_885 = arith.constant 0 : index
      %swap3A_886 = vector.load %arg8[%swap3A_884, %swap3A_885] : memref<8192x256xf32, #tpu.memory_space<vmem>>, vector<1024x256xf32>
      tpu.vector_store %arg8[%swap3A_884, %swap3A_885], %dot_general3A_883 {strides = array<i32>} : memref<8192x256xf32, #tpu.memory_space<vmem>>, vector<1024x256xf32>,
    } else {
    }
    %get3A = arith.constant 0 : index
    %get3A_2 = arith.constant 0 : index
    %get3A_3 = vector.load %arg1[%get3A, %get3A_2] : memref<2304x256xf32, #tpu.memory_space<vmem>>, vector<2304x256xf32>
    %mul3A = arith.mulf %get3A_3, %get3A_3 : vector<2304x256xf32>
    %reduce_sum3A = arith.constant dense<0.000000e+00> : vector<2304xf32>
    %reduce_sum3A_4 = vector.multi_reduction <add>, %mul3A, %reduce_sum3A [1] : vector<2304x256xf32> to vector<2304xf32>
    %broadcast_in_dim3A = vector.shape_cast %reduce_sum3A_4 : vector<2304xf32> to vector<2304x1xf32>
    %max3A = arith.constant 9.99999996E-13 : f32
    %max3A_5 = vector.broadcast %max3A : f32 to vector<2304x1xf32>
    %max3A_6 = arith.maximumf %broadcast_in_dim3A, %max3A_5 : vector<2304x1xf32>
    %rsqrt3A = math.rsqrt %max3A_6 : vector<2304x1xf32>
    %mul3A_7 = vector.broadcast %rsqrt3A : vector<2304x1xf32> to vector<2304x256xf32>
    %mul3A_8 = arith.mulf %get3A_3, %mul3A_7 : vector<2304x256xf32>
    %broadcast_in_dim3A_9 = arith.constant 0xFF800000 : f32
    %broadcast_in_dim3A_10 = vector.broadcast %broadcast_in_dim3A_9 : f32 to vector<2304x128xf32>
    %broadcast_in_dim3A_11 = arith.constant 0 : i32
    %broadcast_in_dim3A_12 = vector.broadcast %broadcast_in_dim3A_11 : i32 to vector<2304x128xi32>
    %get3A_13 = arith.constant 0 : index
    %get3A_14 = arith.constant 0 : index
    %get3A_15 = vector.load %arg9[%get3A_13, %get3A_14] : memref<8192x256xf32, #tpu.memory_space<vmem>>, vector<1024x256xf32>
    %dot_general3A = arith.constant dense<0.000000e+00> : vector<2304x1024xf32>
    %dot_general3A_16 = tpu.matmul %mul3A_8, %get3A_15, %dot_general3A {dimension_numbers = #tpu.dot_dimension_numbers<[1], [1], [0], [0], [0, 0, 1, 0], [], []>, transpose_lhs_hint = false} : vector<2304x256xf32>, vector<1024x256xf32>, vector<2304x1024xf32> -> vector<2304x1024xf32>
    %slice3A = vector.extract_strided_slice %dot_general3A_16 {offsets = [0, 0], sizes = [2304, 128], strides = [1, 1]} : vector<2304x1024xf32> to vector<2304x128xf32>
    %gt3A = arith.cmpf ogt, %slice3A, %broadcast_in_dim3A_10 : vector<2304x128xf32>
    %max3A_17 = arith.maximumf %slice3A, %broadcast_in_dim3A_10 : vector<2304x128xf32>
    %jit3A = arith.constant 0 : i32
    %broadcast_in_dim3A_18 = vector.broadcast %jit3A : i32 to vector<2304x128xi32>
    %select_n3A = arith.select %gt3A, %broadcast_in_dim3A_18, %broadcast_in_dim3A_12 : vector<2304x128xi1>, vector<2304x128xi32>
    %slice3A_19 = vector.extract_strided_slice %dot_general3A_16 {offsets = [0, 128], sizes = [2304, 128], strides = [1, 1]} : vector<2304x1024xf32> to vector<2304x128xf32>
    %gt3A_20 = arith.cmpf ogt, %slice3A_19, %max3A_17 : vector<2304x128xf32>
    %max3A_21 = arith.maximumf %slice3A_19, %max3A_17 : vector<2304x128xf32>
    %jit3A_22 = arith.constant 1 : i32
    %broadcast_in_dim3A_23 = vector.broadcast %jit3A_22 : i32 to vector<2304x128xi32>
    %select_n3A_24 = arith.select %gt3A_20, %broadcast_in_dim3A_23, %select_n3A : vector<2304x128xi1>, vector<2304x128xi32>
    %slice3A_25 = vector.extract_strided_slice %dot_general3A_16 {offsets = [0, 256], sizes = [2304, 128], strides = [1, 1]} : vector<2304x1024xf32> to vector<2304x128xf32>
    %gt3A_26 = arith.cmpf ogt, %slice3A_25, %max3A_21 : vector<2304x128xf32>
    %max3A_27 = arith.maximumf %slice3A_25, %max3A_21 : vector<2304x128xf32>
    %jit3A_28 = arith.constant 2 : i32
    %broadcast_in_dim3A_29 = vector.broadcast %jit3A_28 : i32 to vector<2304x128xi32>
    %select_n3A_30 = arith.select %gt3A_26, %broadcast_in_dim3A_29, %select_n3A_24 : vector<2304x128xi1>, vector<2304x128xi32>
    %slice3A_31 = vector.extract_strided_slice %dot_general3A_16 {offsets = [0, 384], sizes = [2304, 128], strides = [1, 1]} : vector<2304x1024xf32> to vector<2304x128xf32>
    %gt3A_32 = arith.cmpf ogt, %slice3A_31, %max3A_27 : vector<2304x128xf32>
    %max3A_33 = arith.maximumf %slice3A_31, %max3A_27 : vector<2304x128xf32>
    %jit3A_34 = arith.constant 3 : i32
    %broadcast_in_dim3A_35 = vector.broadcast %jit3A_34 : i32 to vector<2304x128xi32>
    %select_n3A_36 = arith.select %gt3A_32, %broadcast_in_dim3A_35, %select_n3A_30 : vector<2304x128xi1>, vector<2304x128xi32>
    %slice3A_37 = vector.extract_strided_slice %dot_general3A_16 {offsets = [0, 512], sizes = [2304, 128], strides = [1, 1]} : vector<2304x1024xf32> to vector<2304x128xf32>
    %gt3A_38 = arith.cmpf ogt, %slice3A_37, %max3A_33 : vector<2304x128xf32>
    %max3A_39 = arith.maximumf %slice3A_37, %max3A_33 : vector<2304x128xf32>
    %jit3A_40 = arith.constant 4 : i32
    %broadcast_in_dim3A_41 = vector.broadcast %jit3A_40 : i32 to vector<2304x128xi32>
    %select_n3A_42 = arith.select %gt3A_38, %broadcast_in_dim3A_41, %select_n3A_36 : vector<2304x128xi1>, vector<2304x128xi32>
    %slice3A_43 = vector.extract_strided_slice %dot_general3A_16 {offsets = [0, 640], sizes = [2304, 128], strides = [1, 1]} : vector<2304x1024xf32> to vector<2304x128xf32>
    %gt3A_44 = arith.cmpf ogt, %slice3A_43, %max3A_39 : vector<2304x128xf32>
    %max3A_45 = arith.maximumf %slice3A_43, %max3A_39 : vector<2304x128xf32>
    %jit3A_46 = arith.constant 5 : i32
    %broadcast_in_dim3A_47 = vector.broadcast %jit3A_46 : i32 to vector<2304x128xi32>
    %select_n3A_48 = arith.select %gt3A_44, %broadcast_in_dim3A_47, %select_n3A_42 : vector<2304x128xi1>, vector<2304x128xi32>
    %slice3A_49 = vector.extract_strided_slice %dot_general3A_16 {offsets = [0, 768], sizes = [2304, 128], strides = [1, 1]} : vector<2304x1024xf32> to vector<2304x128xf32>
    %gt3A_50 = arith.cmpf ogt, %slice3A_49, %max3A_45 : vector<2304x128xf32>
    %max3A_51 = arith.maximumf %slice3A_49, %max3A_45 : vector<2304x128xf32>
    %jit3A_52 = arith.constant 6 : i32
    %broadcast_in_dim3A_53 = vector.broadcast %jit3A_52 : i32 to vector<2304x128xi32>
    %select_n3A_54 = arith.select %gt3A_50, %broadcast_in_dim3A_53, %select_n3A_48 : vector<2304x128xi1>, vector<2304x128xi32>
    %slice3A_55 = vector.extract_strided_slice %dot_general3A_16 {offsets = [0, 896], sizes = [2304, 128], strides = [1, 1]} : vector<2304x1024xf32> to vector<2304x128xf32>
    %gt3A_56 = arith.cmpf ogt, %slice3A_55, %max3A_51 : vector<2304x128xf32>
    %max3A_57 = arith.maximumf %slice3A_55, %max3A_51 : vector<2304x128xf32>
    %jit3A_58 = arith.constant 7 : i32
    %broadcast_in_dim3A_59 = vector.broadcast %jit3A_58 : i32 to vector<2304x128xi32>
    %select_n3A_60 = arith.select %gt3A_56, %broadcast_in_dim3A_59, %select_n3A_54 : vector<2304x128xi1>, vector<2304x128xi32>
    %get3A_61 = arith.constant 1024 : index
    %get3A_62 = arith.constant 0 : index
    %get3A_63 = vector.load %arg9[%get3A_61, %get3A_62] : memref<8192x256xf32, #tpu.memory_space<vmem>>, vector<1024x256xf32>
    %dot_general3A_64 = arith.constant dense<0.000000e+00> : vector<2304x1024xf32>
    %dot_general3A_65 = tpu.matmul %mul3A_8, %get3A_63, %dot_general3A_64 {dimension_numbers = #tpu.dot_dimension_numbers<[1], [1], [0], [0], [0, 0, 1, 0], [], []>, transpose_lhs_hint = false} : vector<2304x256xf32>, vector<1024x256xf32>, vector<2304x1024xf32> -> vector<2304x1024xf32>
    %slice3A_66 = vector.extract_strided_slice %dot_general3A_65 {offsets = [0, 0], sizes = [2304, 128], strides = [1, 1]} : vector<2304x1024xf32> to vector<2304x128xf32>
    %gt3A_67 = arith.cmpf ogt, %slice3A_66, %max3A_57 : vector<2304x128xf32>
    %max3A_68 = arith.maximumf %slice3A_66, %max3A_57 : vector<2304x128xf32>
    %jit3A_69 = arith.constant 8 : i32
    %broadcast_in_dim3A_70 = vector.broadcast %jit3A_69 : i32 to vector<2304x128xi32>
    %select_n3A_71 = arith.select %gt3A_67, %broadcast_in_dim3A_70, %select_n3A_60 : vector<2304x128xi1>, vector<2304x128xi32>
    %slice3A_72 = vector.extract_strided_slice %dot_general3A_65 {offsets = [0, 128], sizes = [2304, 128], strides = [1, 1]} : vector<2304x1024xf32> to vector<2304x128xf32>
    %gt3A_73 = arith.cmpf ogt, %slice3A_72, %max3A_68 : vector<2304x128xf32>
    %max3A_74 = arith.maximumf %slice3A_72, %max3A_68 : vector<2304x128xf32>
    %jit3A_75 = arith.constant 9 : i32
    %broadcast_in_dim3A_76 = vector.broadcast %jit3A_75 : i32 to vector<2304x128xi32>
    %select_n3A_77 = arith.select %gt3A_73, %broadcast_in_dim3A_76, %select_n3A_71 : vector<2304x128xi1>, vector<2304x128xi32>
    %slice3A_78 = vector.extract_strided_slice %dot_general3A_65 {offsets = [0, 256], sizes = [2304, 128], strides = [1, 1]} : vector<2304x1024xf32> to vector<2304x128xf32>
    %gt3A_79 = arith.cmpf ogt, %slice3A_78, %max3A_74 : vector<2304x128xf32>
    %max3A_80 = arith.maximumf %slice3A_78, %max3A_74 : vector<2304x128xf32>
    %jit3A_81 = arith.constant 10 : i32
    %broadcast_in_dim3A_82 = vector.broadcast %jit3A_81 : i32 to vector<2304x128xi32>
    %select_n3A_83 = arith.select %gt3A_79, %broadcast_in_dim3A_82, %select_n3A_77 : vector<2304x128xi1>, vector<2304x128xi32>
    %slice3A_84 = vector.extract_strided_slice %dot_general3A_65 {offsets = [0, 384], sizes = [2304, 128], strides = [1, 1]} : vector<2304x1024xf32> to vector<2304x128xf32>
    %gt3A_85 = arith.cmpf ogt, %slice3A_84, %max3A_80 : vector<2304x128xf32>
    %max3A_86 = arith.maximumf %slice3A_84, %max3A_80 : vector<2304x128xf32>
    %jit3A_87 = arith.constant 11 : i32
    %broadcast_in_dim3A_88 = vector.broadcast %jit3A_87 : i32 to vector<2304x128xi32>
    %select_n3A_89 = arith.select %gt3A_85, %broadcast_in_dim3A_88, %select_n3A_83 : vector<2304x128xi1>, vector<2304x128xi32>
    %slice3A_90 = vector.extract_strided_slice %dot_general3A_65 {offsets = [0, 512], sizes = [2304, 128], strides = [1, 1]} : vector<2304x1024xf32> to vector<2304x128xf32>
    %gt3A_91 = arith.cmpf ogt, %slice3A_90, %max3A_86 : vector<2304x128xf32>
    %max3A_92 = arith.maximumf %slice3A_90, %max3A_86 : vector<2304x128xf32>
    %jit3A_93 = arith.constant 12 : i32
    %broadcast_in_dim3A_94 = vector.broadcast %jit3A_93 : i32 to vector<2304x128xi32>
    %select_n3A_95 = arith.select %gt3A_91, %broadcast_in_dim3A_94, %select_n3A_89 : vector<2304x128xi1>, vector<2304x128xi32>
    %slice3A_96 = vector.extract_strided_slice %dot_general3A_65 {offsets = [0, 640], sizes = [2304, 128], strides = [1, 1]} : vector<2304x1024xf32> to vector<2304x128xf32>
    %gt3A_97 = arith.cmpf ogt, %slice3A_96, %max3A_92 : vector<2304x128xf32>
    %max3A_98 = arith.maximumf %slice3A_96, %max3A_92 : vector<2304x128xf32>
    %jit3A_99 = arith.constant 13 : i32
    %broadcast_in_dim3A_100 = vector.broadcast %jit3A_99 : i32 to vector<2304x128xi32>
    %select_n3A_101 = arith.select %gt3A_97, %broadcast_in_dim3A_100, %select_n3A_95 : vector<2304x128xi1>, vector<2304x128xi32>
    %slice3A_102 = vector.extract_strided_slice %dot_general3A_65 {offsets = [0, 768], sizes = [2304, 128], strides = [1, 1]} : vector<2304x1024xf32> to vector<2304x128xf32>
    %gt3A_103 = arith.cmpf ogt, %slice3A_102, %max3A_98 : vector<2304x128xf32>
    %max3A_104 = arith.maximumf %slice3A_102, %max3A_98 : vector<2304x128xf32>
    %jit3A_105 = arith.constant 14 : i32
    %broadcast_in_dim3A_106 = vector.broadcast %jit3A_105 : i32 to vector<2304x128xi32>
    %select_n3A_107 = arith.select %gt3A_103, %broadcast_in_dim3A_106, %select_n3A_101 : vector<2304x128xi1>, vector<2304x128xi32>
    %slice3A_108 = vector.extract_strided_slice %dot_general3A_65 {offsets = [0, 896], sizes = [2304, 128], strides = [1, 1]} : vector<2304x1024xf32> to vector<2304x128xf32>
    %gt3A_109 = arith.cmpf ogt, %slice3A_108, %max3A_104 : vector<2304x128xf32>
    %max3A_110 = arith.maximumf %slice3A_108, %max3A_104 : vector<2304x128xf32>
    %jit3A_111 = arith.constant 15 : i32
    %broadcast_in_dim3A_112 = vector.broadcast %jit3A_111 : i32 to vector<2304x128xi32>
    %select_n3A_113 = arith.select %gt3A_109, %broadcast_in_dim3A_112, %select_n3A_107 : vector<2304x128xi1>, vector<2304x128xi32>
    %get3A_114 = arith.constant 2048 : index
    %get3A_115 = arith.constant 0 : index
    %get3A_116 = vector.load %arg9[%get3A_114, %get3A_115] : memref<8192x256xf32, #tpu.memory_space<vmem>>, vector<1024x256xf32>
    %dot_general3A_117 = arith.constant dense<0.000000e+00> : vector<2304x1024xf32>
    %dot_general3A_118 = tpu.matmul %mul3A_8, %get3A_116, %dot_general3A_117 {dimension_numbers = #tpu.dot_dimension_numbers<[1], [1], [0], [0], [0, 0, 1, 0], [], []>, transpose_lhs_hint = false} : vector<2304x256xf32>, vector<1024x256xf32>, vector<2304x1024xf32> -> vector<2304x1024xf32>
    %slice3A_119 = vector.extract_strided_slice %dot_general3A_118 {offsets = [0, 0], sizes = [2304, 128], strides = [1, 1]} : vector<2304x1024xf32> to vector<2304x128xf32>
    %gt3A_120 = arith.cmpf ogt, %slice3A_119, %max3A_110 : vector<2304x128xf32>
    %max3A_121 = arith.maximumf %slice3A_119, %max3A_110 : vector<2304x128xf32>
    %jit3A_122 = arith.constant 16 : i32
    %broadcast_in_dim3A_123 = vector.broadcast %jit3A_122 : i32 to vector<2304x128xi32>
    %select_n3A_124 = arith.select %gt3A_120, %broadcast_in_dim3A_123, %select_n3A_113 : vector<2304x128xi1>, vector<2304x128xi32>
    %slice3A_125 = vector.extract_strided_slice %dot_general3A_118 {offsets = [0, 128], sizes = [2304, 128], strides = [1, 1]} : vector<2304x1024xf32> to vector<2304x128xf32>
    %gt3A_126 = arith.cmpf ogt, %slice3A_125, %max3A_121 : vector<2304x128xf32>
    %max3A_127 = arith.maximumf %slice3A_125, %max3A_121 : vector<2304x128xf32>
    %jit3A_128 = arith.constant 17 : i32
    %broadcast_in_dim3A_129 = vector.broadcast %jit3A_128 : i32 to vector<2304x128xi32>
    %select_n3A_130 = arith.select %gt3A_126, %broadcast_in_dim3A_129, %select_n3A_124 : vector<2304x128xi1>, vector<2304x128xi32>
    %slice3A_131 = vector.extract_strided_slice %dot_general3A_118 {offsets = [0, 256], sizes = [2304, 128], strides = [1, 1]} : vector<2304x1024xf32> to vector<2304x128xf32>
    %gt3A_132 = arith.cmpf ogt, %slice3A_131, %max3A_127 : vector<2304x128xf32>
    %max3A_133 = arith.maximumf %slice3A_131, %max3A_127 : vector<2304x128xf32>
    %jit3A_134 = arith.constant 18 : i32
    %broadcast_in_dim3A_135 = vector.broadcast %jit3A_134 : i32 to vector<2304x128xi32>
    %select_n3A_136 = arith.select %gt3A_132, %broadcast_in_dim3A_135, %select_n3A_130 : vector<2304x128xi1>, vector<2304x128xi32>
    %slice3A_137 = vector.extract_strided_slice %dot_general3A_118 {offsets = [0, 384], sizes = [2304, 128], strides = [1, 1]} : vector<2304x1024xf32> to vector<2304x128xf32>
    %gt3A_138 = arith.cmpf ogt, %slice3A_137, %max3A_133 : vector<2304x128xf32>
    %max3A_139 = arith.maximumf %slice3A_137, %max3A_133 : vector<2304x128xf32>
    %jit3A_140 = arith.constant 19 : i32
    %broadcast_in_dim3A_141 = vector.broadcast %jit3A_140 : i32 to vector<2304x128xi32>
    %select_n3A_142 = arith.select %gt3A_138, %broadcast_in_dim3A_141, %select_n3A_136 : vector<2304x128xi1>, vector<2304x128xi32>
    %slice3A_143 = vector.extract_strided_slice %dot_general3A_118 {offsets = [0, 512], sizes = [2304, 128], strides = [1, 1]} : vector<2304x1024xf32> to vector<2304x128xf32>
    %gt3A_144 = arith.cmpf ogt, %slice3A_143, %max3A_139 : vector<2304x128xf32>
    %max3A_145 = arith.maximumf %slice3A_143, %max3A_139 : vector<2304x128xf32>
    %jit3A_146 = arith.constant 20 : i32
    %broadcast_in_dim3A_147 = vector.broadcast %jit3A_146 : i32 to vector<2304x128xi32>
    %select_n3A_148 = arith.select %gt3A_144, %broadcast_in_dim3A_147, %select_n3A_142 : vector<2304x128xi1>, vector<2304x128xi32>
    %slice3A_149 = vector.extract_strided_slice %dot_general3A_118 {offsets = [0, 640], sizes = [2304, 128], strides = [1, 1]} : vector<2304x1024xf32> to vector<2304x128xf32>
    %gt3A_150 = arith.cmpf ogt, %slice3A_149, %max3A_145 : vector<2304x128xf32>
    %max3A_151 = arith.maximumf %slice3A_149, %max3A_145 : vector<2304x128xf32>
    %jit3A_152 = arith.constant 21 : i32
    %broadcast_in_dim3A_153 = vector.broadcast %jit3A_152 : i32 to vector<2304x128xi32>
    %select_n3A_154 = arith.select %gt3A_150, %broadcast_in_dim3A_153, %select_n3A_148 : vector<2304x128xi1>, vector<2304x128xi32>
    %slice3A_155 = vector.extract_strided_slice %dot_general3A_118 {offsets = [0, 768], sizes = [2304, 128], strides = [1, 1]} : vector<2304x1024xf32> to vector<2304x128xf32>
    %gt3A_156 = arith.cmpf ogt, %slice3A_155, %max3A_151 : vector<2304x128xf32>
    %max3A_157 = arith.maximumf %slice3A_155, %max3A_151 : vector<2304x128xf32>
    %jit3A_158 = arith.constant 22 : i32
    %broadcast_in_dim3A_159 = vector.broadcast %jit3A_158 : i32 to vector<2304x128xi32>
    %select_n3A_160 = arith.select %gt3A_156, %broadcast_in_dim3A_159, %select_n3A_154 : vector<2304x128xi1>, vector<2304x128xi32>
    %slice3A_161 = vector.extract_strided_slice %dot_general3A_118 {offsets = [0, 896], sizes = [2304, 128], strides = [1, 1]} : vector<2304x1024xf32> to vector<2304x128xf32>
    %gt3A_162 = arith.cmpf ogt, %slice3A_161, %max3A_157 : vector<2304x128xf32>
    %max3A_163 = arith.maximumf %slice3A_161, %max3A_157 : vector<2304x128xf32>
    %jit3A_164 = arith.constant 23 : i32
    %broadcast_in_dim3A_165 = vector.broadcast %jit3A_164 : i32 to vector<2304x128xi32>
    %select_n3A_166 = arith.select %gt3A_162, %broadcast_in_dim3A_165, %select_n3A_160 : vector<2304x128xi1>, vector<2304x128xi32>
    %get3A_167 = arith.constant 3072 : index
    %get3A_168 = arith.constant 0 : index
    %get3A_169 = vector.load %arg9[%get3A_167, %get3A_168] : memref<8192x256xf32, #tpu.memory_space<vmem>>, vector<1024x256xf32>
    %dot_general3A_170 = arith.constant dense<0.000000e+00> : vector<2304x1024xf32>
    %dot_general3A_171 = tpu.matmul %mul3A_8, %get3A_169, %dot_general3A_170 {dimension_numbers = #tpu.dot_dimension_numbers<[1], [1], [0], [0], [0, 0, 1, 0], [], []>, transpose_lhs_hint = false} : vector<2304x256xf32>, vector<1024x256xf32>, vector<2304x1024xf32> -> vector<2304x1024xf32>
    %slice3A_172 = vector.extract_strided_slice %dot_general3A_171 {offsets = [0, 0], sizes = [2304, 128], strides = [1, 1]} : vector<2304x1024xf32> to vector<2304x128xf32>
    %gt3A_173 = arith.cmpf ogt, %slice3A_172, %max3A_163 : vector<2304x128xf32>
    %max3A_174 = arith.maximumf %slice3A_172, %max3A_163 : vector<2304x128xf32>
    %jit3A_175 = arith.constant 24 : i32
    %broadcast_in_dim3A_176 = vector.broadcast %jit3A_175 : i32 to vector<2304x128xi32>
    %select_n3A_177 = arith.select %gt3A_173, %broadcast_in_dim3A_176, %select_n3A_166 : vector<2304x128xi1>, vector<2304x128xi32>
    %slice3A_178 = vector.extract_strided_slice %dot_general3A_171 {offsets = [0, 128], sizes = [2304, 128], strides = [1, 1]} : vector<2304x1024xf32> to vector<2304x128xf32>
    %gt3A_179 = arith.cmpf ogt, %slice3A_178, %max3A_174 : vector<2304x128xf32>
    %max3A_180 = arith.maximumf %slice3A_178, %max3A_174 : vector<2304x128xf32>
    %jit3A_181 = arith.constant 25 : i32
    %broadcast_in_dim3A_182 = vector.broadcast %jit3A_181 : i32 to vector<2304x128xi32>
    %select_n3A_183 = arith.select %gt3A_179, %broadcast_in_dim3A_182, %select_n3A_177 : vector<2304x128xi1>, vector<2304x128xi32>
    %slice3A_184 = vector.extract_strided_slice %dot_general3A_171 {offsets = [0, 256], sizes = [2304, 128], strides = [1, 1]} : vector<2304x1024xf32> to vector<2304x128xf32>
    %gt3A_185 = arith.cmpf ogt, %slice3A_184, %max3A_180 : vector<2304x128xf32>
    %max3A_186 = arith.maximumf %slice3A_184, %max3A_180 : vector<2304x128xf32>
    %jit3A_187 = arith.constant 26 : i32
    %broadcast_in_dim3A_188 = vector.broadcast %jit3A_187 : i32 to vector<2304x128xi32>
    %select_n3A_189 = arith.select %gt3A_185, %broadcast_in_dim3A_188, %select_n3A_183 : vector<2304x128xi1>, vector<2304x128xi32>
    %slice3A_190 = vector.extract_strided_slice %dot_general3A_171 {offsets = [0, 384], sizes = [2304, 128], strides = [1, 1]} : vector<2304x1024xf32> to vector<2304x128xf32>
    %gt3A_191 = arith.cmpf ogt, %slice3A_190, %max3A_186 : vector<2304x128xf32>
    %max3A_192 = arith.maximumf %slice3A_190, %max3A_186 : vector<2304x128xf32>
    %jit3A_193 = arith.constant 27 : i32
    %broadcast_in_dim3A_194 = vector.broadcast %jit3A_193 : i32 to vector<2304x128xi32>
    %select_n3A_195 = arith.select %gt3A_191, %broadcast_in_dim3A_194, %select_n3A_189 : vector<2304x128xi1>, vector<2304x128xi32>
    %slice3A_196 = vector.extract_strided_slice %dot_general3A_171 {offsets = [0, 512], sizes = [2304, 128], strides = [1, 1]} : vector<2304x1024xf32> to vector<2304x128xf32>
    %gt3A_197 = arith.cmpf ogt, %slice3A_196, %max3A_192 : vector<2304x128xf32>
    %max3A_198 = arith.maximumf %slice3A_196, %max3A_192 : vector<2304x128xf32>
    %jit3A_199 = arith.constant 28 : i32
    %broadcast_in_dim3A_200 = vector.broadcast %jit3A_199 : i32 to vector<2304x128xi32>
    %select_n3A_201 = arith.select %gt3A_197, %broadcast_in_dim3A_200, %select_n3A_195 : vector<2304x128xi1>, vector<2304x128xi32>
    %slice3A_202 = vector.extract_strided_slice %dot_general3A_171 {offsets = [0, 640], sizes = [2304, 128], strides = [1, 1]} : vector<2304x1024xf32> to vector<2304x128xf32>
    %gt3A_203 = arith.cmpf ogt, %slice3A_202, %max3A_198 : vector<2304x128xf32>
    %max3A_204 = arith.maximumf %slice3A_202, %max3A_198 : vector<2304x128xf32>
    %jit3A_205 = arith.constant 29 : i32
    %broadcast_in_dim3A_206 = vector.broadcast %jit3A_205 : i32 to vector<2304x128xi32>
    %select_n3A_207 = arith.select %gt3A_203, %broadcast_in_dim3A_206, %select_n3A_201 : vector<2304x128xi1>, vector<2304x128xi32>
    %slice3A_208 = vector.extract_strided_slice %dot_general3A_171 {offsets = [0, 768], sizes = [2304, 128], strides = [1, 1]} : vector<2304x1024xf32> to vector<2304x128xf32>
    %gt3A_209 = arith.cmpf ogt, %slice3A_208, %max3A_204 : vector<2304x128xf32>
    %max3A_210 = arith.maximumf %slice3A_208, %max3A_204 : vector<2304x128xf32>
    %jit3A_211 = arith.constant 30 : i32
    %broadcast_in_dim3A_212 = vector.broadcast %jit3A_211 : i32 to vector<2304x128xi32>
    %select_n3A_213 = arith.select %gt3A_209, %broadcast_in_dim3A_212, %select_n3A_207 : vector<2304x128xi1>, vector<2304x128xi32>
    %slice3A_214 = vector.extract_strided_slice %dot_general3A_171 {offsets = [0, 896], sizes = [2304, 128], strides = [1, 1]} : vector<2304x1024xf32> to vector<2304x128xf32>
    %gt3A_215 = arith.cmpf ogt, %slice3A_214, %max3A_210 : vector<2304x128xf32>
    %max3A_216 = arith.maximumf %slice3A_214, %max3A_210 : vector<2304x128xf32>
    %jit3A_217 = arith.constant 31 : i32
    %broadcast_in_dim3A_218 = vector.broadcast %jit3A_217 : i32 to vector<2304x128xi32>
    %select_n3A_219 = arith.select %gt3A_215, %broadcast_in_dim3A_218, %select_n3A_213 : vector<2304x128xi1>, vector<2304x128xi32>
    %get3A_220 = arith.constant 4096 : index
    %get3A_221 = arith.constant 0 : index
    %get3A_222 = vector.load %arg9[%get3A_220, %get3A_221] : memref<8192x256xf32, #tpu.memory_space<vmem>>, vector<1024x256xf32>
    %dot_general3A_223 = arith.constant dense<0.000000e+00> : vector<2304x1024xf32>
    %dot_general3A_224 = tpu.matmul %mul3A_8, %get3A_222, %dot_general3A_223 {dimension_numbers = #tpu.dot_dimension_numbers<[1], [1], [0], [0], [0, 0, 1, 0], [], []>, transpose_lhs_hint = false} : vector<2304x256xf32>, vector<1024x256xf32>, vector<2304x1024xf32> -> vector<2304x1024xf32>
    %slice3A_225 = vector.extract_strided_slice %dot_general3A_224 {offsets = [0, 0], sizes = [2304, 128], strides = [1, 1]} : vector<2304x1024xf32> to vector<2304x128xf32>
    %gt3A_226 = arith.cmpf ogt, %slice3A_225, %max3A_216 : vector<2304x128xf32>
    %max3A_227 = arith.maximumf %slice3A_225, %max3A_216 : vector<2304x128xf32>
    %jit3A_228 = arith.constant 32 : i32
    %broadcast_in_dim3A_229 = vector.broadcast %jit3A_228 : i32 to vector<2304x128xi32>
    %select_n3A_230 = arith.select %gt3A_226, %broadcast_in_dim3A_229, %select_n3A_219 : vector<2304x128xi1>, vector<2304x128xi32>
    %slice3A_231 = vector.extract_strided_slice %dot_general3A_224 {offsets = [0, 128], sizes = [2304, 128], strides = [1, 1]} : vector<2304x1024xf32> to vector<2304x128xf32>
    %gt3A_232 = arith.cmpf ogt, %slice3A_231, %max3A_227 : vector<2304x128xf32>
    %max3A_233 = arith.maximumf %slice3A_231, %max3A_227 : vector<2304x128xf32>
    %jit3A_234 = arith.constant 33 : i32
    %broadcast_in_dim3A_235 = vector.broadcast %jit3A_234 : i32 to vector<2304x128xi32>
    %select_n3A_236 = arith.select %gt3A_232, %broadcast_in_dim3A_235, %select_n3A_230 : vector<2304x128xi1>, vector<2304x128xi32>
    %slice3A_237 = vector.extract_strided_slice %dot_general3A_224 {offsets = [0, 256], sizes = [2304, 128], strides = [1, 1]} : vector<2304x1024xf32> to vector<2304x128xf32>
    %gt3A_238 = arith.cmpf ogt, %slice3A_237, %max3A_233 : vector<2304x128xf32>
    %max3A_239 = arith.maximumf %slice3A_237, %max3A_233 : vector<2304x128xf32>
    %jit3A_240 = arith.constant 34 : i32
    %broadcast_in_dim3A_241 = vector.broadcast %jit3A_240 : i32 to vector<2304x128xi32>
    %select_n3A_242 = arith.select %gt3A_238, %broadcast_in_dim3A_241, %select_n3A_236 : vector<2304x128xi1>, vector<2304x128xi32>
    %slice3A_243 = vector.extract_strided_slice %dot_general3A_224 {offsets = [0, 384], sizes = [2304, 128], strides = [1, 1]} : vector<2304x1024xf32> to vector<2304x128xf32>
    %gt3A_244 = arith.cmpf ogt, %slice3A_243, %max3A_239 : vector<2304x128xf32>
    %max3A_245 = arith.maximumf %slice3A_243, %max3A_239 : vector<2304x128xf32>
    %jit3A_246 = arith.constant 35 : i32
    %broadcast_in_dim3A_247 = vector.broadcast %jit3A_246 : i32 to vector<2304x128xi32>
    %select_n3A_248 = arith.select %gt3A_244, %broadcast_in_dim3A_247, %select_n3A_242 : vector<2304x128xi1>, vector<2304x128xi32>
    %slice3A_249 = vector.extract_strided_slice %dot_general3A_224 {offsets = [0, 512], sizes = [2304, 128], strides = [1, 1]} : vector<2304x1024xf32> to vector<2304x128xf32>
    %gt3A_250 = arith.cmpf ogt, %slice3A_249, %max3A_245 : vector<2304x128xf32>
    %max3A_251 = arith.maximumf %slice3A_249, %max3A_245 : vector<2304x128xf32>
    %jit3A_252 = arith.constant 36 : i32
    %broadcast_in_dim3A_253 = vector.broadcast %jit3A_252 : i32 to vector<2304x128xi32>
    %select_n3A_254 = arith.select %gt3A_250, %broadcast_in_dim3A_253, %select_n3A_248 : vector<2304x128xi1>, vector<2304x128xi32>
    %slice3A_255 = vector.extract_strided_slice %dot_general3A_224 {offsets = [0, 640], sizes = [2304, 128], strides = [1, 1]} : vector<2304x1024xf32> to vector<2304x128xf32>
    %gt3A_256 = arith.cmpf ogt, %slice3A_255, %max3A_251 : vector<2304x128xf32>
    %max3A_257 = arith.maximumf %slice3A_255, %max3A_251 : vector<2304x128xf32>
    %jit3A_258 = arith.constant 37 : i32
    %broadcast_in_dim3A_259 = vector.broadcast %jit3A_258 : i32 to vector<2304x128xi32>
    %select_n3A_260 = arith.select %gt3A_256, %broadcast_in_dim3A_259, %select_n3A_254 : vector<2304x128xi1>, vector<2304x128xi32>
    %slice3A_261 = vector.extract_strided_slice %dot_general3A_224 {offsets = [0, 768], sizes = [2304, 128], strides = [1, 1]} : vector<2304x1024xf32> to vector<2304x128xf32>
    %gt3A_262 = arith.cmpf ogt, %slice3A_261, %max3A_257 : vector<2304x128xf32>
    %max3A_263 = arith.maximumf %slice3A_261, %max3A_257 : vector<2304x128xf32>
    %jit3A_264 = arith.constant 38 : i32
    %broadcast_in_dim3A_265 = vector.broadcast %jit3A_264 : i32 to vector<2304x128xi32>
    %select_n3A_266 = arith.select %gt3A_262, %broadcast_in_dim3A_265, %select_n3A_260 : vector<2304x128xi1>, vector<2304x128xi32>
    %slice3A_267 = vector.extract_strided_slice %dot_general3A_224 {offsets = [0, 896], sizes = [2304, 128], strides = [1, 1]} : vector<2304x1024xf32> to vector<2304x128xf32>
    %gt3A_268 = arith.cmpf ogt, %slice3A_267, %max3A_263 : vector<2304x128xf32>
    %max3A_269 = arith.maximumf %slice3A_267, %max3A_263 : vector<2304x128xf32>
    %jit3A_270 = arith.constant 39 : i32
    %broadcast_in_dim3A_271 = vector.broadcast %jit3A_270 : i32 to vector<2304x128xi32>
    %select_n3A_272 = arith.select %gt3A_268, %broadcast_in_dim3A_271, %select_n3A_266 : vector<2304x128xi1>, vector<2304x128xi32>
    %get3A_273 = arith.constant 5120 : index
    %get3A_274 = arith.constant 0 : index
    %get3A_275 = vector.load %arg9[%get3A_273, %get3A_274] : memref<8192x256xf32, #tpu.memory_space<vmem>>, vector<1024x256xf32>
    %dot_general3A_276 = arith.constant dense<0.000000e+00> : vector<2304x1024xf32>
    %dot_general3A_277 = tpu.matmul %mul3A_8, %get3A_275, %dot_general3A_276 {dimension_numbers = #tpu.dot_dimension_numbers<[1], [1], [0], [0], [0, 0, 1, 0], [], []>, transpose_lhs_hint = false} : vector<2304x256xf32>, vector<1024x256xf32>, vector<2304x1024xf32> -> vector<2304x1024xf32>
    %slice3A_278 = vector.extract_strided_slice %dot_general3A_277 {offsets = [0, 0], sizes = [2304, 128], strides = [1, 1]} : vector<2304x1024xf32> to vector<2304x128xf32>
    %gt3A_279 = arith.cmpf ogt, %slice3A_278, %max3A_269 : vector<2304x128xf32>
    %max3A_280 = arith.maximumf %slice3A_278, %max3A_269 : vector<2304x128xf32>
    %jit3A_281 = arith.constant 40 : i32
    %broadcast_in_dim3A_282 = vector.broadcast %jit3A_281 : i32 to vector<2304x128xi32>
    %select_n3A_283 = arith.select %gt3A_279, %broadcast_in_dim3A_282, %select_n3A_272 : vector<2304x128xi1>, vector<2304x128xi32>
    %slice3A_284 = vector.extract_strided_slice %dot_general3A_277 {offsets = [0, 128], sizes = [2304, 128], strides = [1, 1]} : vector<2304x1024xf32> to vector<2304x128xf32>
    %gt3A_285 = arith.cmpf ogt, %slice3A_284, %max3A_280 : vector<2304x128xf32>
    %max3A_286 = arith.maximumf %slice3A_284, %max3A_280 : vector<2304x128xf32>
    %jit3A_287 = arith.constant 41 : i32
    %broadcast_in_dim3A_288 = vector.broadcast %jit3A_287 : i32 to vector<2304x128xi32>
    %select_n3A_289 = arith.select %gt3A_285, %broadcast_in_dim3A_288, %select_n3A_283 : vector<2304x128xi1>, vector<2304x128xi32>
    %slice3A_290 = vector.extract_strided_slice %dot_general3A_277 {offsets = [0, 256], sizes = [2304, 128], strides = [1, 1]} : vector<2304x1024xf32> to vector<2304x128xf32>
    %gt3A_291 = arith.cmpf ogt, %slice3A_290, %max3A_286 : vector<2304x128xf32>
    %max3A_292 = arith.maximumf %slice3A_290, %max3A_286 : vector<2304x128xf32>
    %jit3A_293 = arith.constant 42 : i32
    %broadcast_in_dim3A_294 = vector.broadcast %jit3A_293 : i32 to vector<2304x128xi32>
    %select_n3A_295 = arith.select %gt3A_291, %broadcast_in_dim3A_294, %select_n3A_289 : vector<2304x128xi1>, vector<2304x128xi32>
    %slice3A_296 = vector.extract_strided_slice %dot_general3A_277 {offsets = [0, 384], sizes = [2304, 128], strides = [1, 1]} : vector<2304x1024xf32> to vector<2304x128xf32>
    %gt3A_297 = arith.cmpf ogt, %slice3A_296, %max3A_292 : vector<2304x128xf32>
    %max3A_298 = arith.maximumf %slice3A_296, %max3A_292 : vector<2304x128xf32>
    %jit3A_299 = arith.constant 43 : i32
    %broadcast_in_dim3A_300 = vector.broadcast %jit3A_299 : i32 to vector<2304x128xi32>
    %select_n3A_301 = arith.select %gt3A_297, %broadcast_in_dim3A_300, %select_n3A_295 : vector<2304x128xi1>, vector<2304x128xi32>
    %slice3A_302 = vector.extract_strided_slice %dot_general3A_277 {offsets = [0, 512], sizes = [2304, 128], strides = [1, 1]} : vector<2304x1024xf32> to vector<2304x128xf32>
    %gt3A_303 = arith.cmpf ogt, %slice3A_302, %max3A_298 : vector<2304x128xf32>
    %max3A_304 = arith.maximumf %slice3A_302, %max3A_298 : vector<2304x128xf32>
    %jit3A_305 = arith.constant 44 : i32
    %broadcast_in_dim3A_306 = vector.broadcast %jit3A_305 : i32 to vector<2304x128xi32>
    %select_n3A_307 = arith.select %gt3A_303, %broadcast_in_dim3A_306, %select_n3A_301 : vector<2304x128xi1>, vector<2304x128xi32>
    %slice3A_308 = vector.extract_strided_slice %dot_general3A_277 {offsets = [0, 640], sizes = [2304, 128], strides = [1, 1]} : vector<2304x1024xf32> to vector<2304x128xf32>
    %gt3A_309 = arith.cmpf ogt, %slice3A_308, %max3A_304 : vector<2304x128xf32>
    %max3A_310 = arith.maximumf %slice3A_308, %max3A_304 : vector<2304x128xf32>
    %jit3A_311 = arith.constant 45 : i32
    %broadcast_in_dim3A_312 = vector.broadcast %jit3A_311 : i32 to vector<2304x128xi32>
    %select_n3A_313 = arith.select %gt3A_309, %broadcast_in_dim3A_312, %select_n3A_307 : vector<2304x128xi1>, vector<2304x128xi32>
    %slice3A_314 = vector.extract_strided_slice %dot_general3A_277 {offsets = [0, 768], sizes = [2304, 128], strides = [1, 1]} : vector<2304x1024xf32> to vector<2304x128xf32>
    %gt3A_315 = arith.cmpf ogt, %slice3A_314, %max3A_310 : vector<2304x128xf32>
    %max3A_316 = arith.maximumf %slice3A_314, %max3A_310 : vector<2304x128xf32>
    %jit3A_317 = arith.constant 46 : i32
    %broadcast_in_dim3A_318 = vector.broadcast %jit3A_317 : i32 to vector<2304x128xi32>
    %select_n3A_319 = arith.select %gt3A_315, %broadcast_in_dim3A_318, %select_n3A_313 : vector<2304x128xi1>, vector<2304x128xi32>
    %slice3A_320 = vector.extract_strided_slice %dot_general3A_277 {offsets = [0, 896], sizes = [2304, 128], strides = [1, 1]} : vector<2304x1024xf32> to vector<2304x128xf32>
    %gt3A_321 = arith.cmpf ogt, %slice3A_320, %max3A_316 : vector<2304x128xf32>
    %max3A_322 = arith.maximumf %slice3A_320, %max3A_316 : vector<2304x128xf32>
    %jit3A_323 = arith.constant 47 : i32
    %broadcast_in_dim3A_324 = vector.broadcast %jit3A_323 : i32 to vector<2304x128xi32>
    %select_n3A_325 = arith.select %gt3A_321, %broadcast_in_dim3A_324, %select_n3A_319 : vector<2304x128xi1>, vector<2304x128xi32>
    %get3A_326 = arith.constant 6144 : index
    %get3A_327 = arith.constant 0 : index
    %get3A_328 = vector.load %arg9[%get3A_326, %get3A_327] : memref<8192x256xf32, #tpu.memory_space<vmem>>, vector<1024x256xf32>
    %dot_general3A_329 = arith.constant dense<0.000000e+00> : vector<2304x1024xf32>
    %dot_general3A_330 = tpu.matmul %mul3A_8, %get3A_328, %dot_general3A_329 {dimension_numbers = #tpu.dot_dimension_numbers<[1], [1], [0], [0], [0, 0, 1, 0], [], []>, transpose_lhs_hint = false} : vector<2304x256xf32>, vector<1024x256xf32>, vector<2304x1024xf32> -> vector<2304x1024xf32>
    %slice3A_331 = vector.extract_strided_slice %dot_general3A_330 {offsets = [0, 0], sizes = [2304, 128], strides = [1, 1]} : vector<2304x1024xf32> to vector<2304x128xf32>
    %gt3A_332 = arith.cmpf ogt, %slice3A_331, %max3A_322 : vector<2304x128xf32>
    %max3A_333 = arith.maximumf %slice3A_331, %max3A_322 : vector<2304x128xf32>
    %jit3A_334 = arith.constant 48 : i32
    %broadcast_in_dim3A_335 = vector.broadcast %jit3A_334 : i32 to vector<2304x128xi32>
    %select_n3A_336 = arith.select %gt3A_332, %broadcast_in_dim3A_335, %select_n3A_325 : vector<2304x128xi1>, vector<2304x128xi32>
    %slice3A_337 = vector.extract_strided_slice %dot_general3A_330 {offsets = [0, 128], sizes = [2304, 128], strides = [1, 1]} : vector<2304x1024xf32> to vector<2304x128xf32>
    %gt3A_338 = arith.cmpf ogt, %slice3A_337, %max3A_333 : vector<2304x128xf32>
    %max3A_339 = arith.maximumf %slice3A_337, %max3A_333 : vector<2304x128xf32>
    %jit3A_340 = arith.constant 49 : i32
    %broadcast_in_dim3A_341 = vector.broadcast %jit3A_340 : i32 to vector<2304x128xi32>
    %select_n3A_342 = arith.select %gt3A_338, %broadcast_in_dim3A_341, %select_n3A_336 : vector<2304x128xi1>, vector<2304x128xi32>
    %slice3A_343 = vector.extract_strided_slice %dot_general3A_330 {offsets = [0, 256], sizes = [2304, 128], strides = [1, 1]} : vector<2304x1024xf32> to vector<2304x128xf32>
    %gt3A_344 = arith.cmpf ogt, %slice3A_343, %max3A_339 : vector<2304x128xf32>
    %max3A_345 = arith.maximumf %slice3A_343, %max3A_339 : vector<2304x128xf32>
    %jit3A_346 = arith.constant 50 : i32
    %broadcast_in_dim3A_347 = vector.broadcast %jit3A_346 : i32 to vector<2304x128xi32>
    %select_n3A_348 = arith.select %gt3A_344, %broadcast_in_dim3A_347, %select_n3A_342 : vector<2304x128xi1>, vector<2304x128xi32>
    %slice3A_349 = vector.extract_strided_slice %dot_general3A_330 {offsets = [0, 384], sizes = [2304, 128], strides = [1, 1]} : vector<2304x1024xf32> to vector<2304x128xf32>
    %gt3A_350 = arith.cmpf ogt, %slice3A_349, %max3A_345 : vector<2304x128xf32>
    %max3A_351 = arith.maximumf %slice3A_349, %max3A_345 : vector<2304x128xf32>
    %jit3A_352 = arith.constant 51 : i32
    %broadcast_in_dim3A_353 = vector.broadcast %jit3A_352 : i32 to vector<2304x128xi32>
    %select_n3A_354 = arith.select %gt3A_350, %broadcast_in_dim3A_353, %select_n3A_348 : vector<2304x128xi1>, vector<2304x128xi32>
    %slice3A_355 = vector.extract_strided_slice %dot_general3A_330 {offsets = [0, 512], sizes = [2304, 128], strides = [1, 1]} : vector<2304x1024xf32> to vector<2304x128xf32>
    %gt3A_356 = arith.cmpf ogt, %slice3A_355, %max3A_351 : vector<2304x128xf32>
    %max3A_357 = arith.maximumf %slice3A_355, %max3A_351 : vector<2304x128xf32>
    %jit3A_358 = arith.constant 52 : i32
    %broadcast_in_dim3A_359 = vector.broadcast %jit3A_358 : i32 to vector<2304x128xi32>
    %select_n3A_360 = arith.select %gt3A_356, %broadcast_in_dim3A_359, %select_n3A_354 : vector<2304x128xi1>, vector<2304x128xi32>
    %slice3A_361 = vector.extract_strided_slice %dot_general3A_330 {offsets = [0, 640], sizes = [2304, 128], strides = [1, 1]} : vector<2304x1024xf32> to vector<2304x128xf32>
    %gt3A_362 = arith.cmpf ogt, %slice3A_361, %max3A_357 : vector<2304x128xf32>
    %max3A_363 = arith.maximumf %slice3A_361, %max3A_357 : vector<2304x128xf32>
    %jit3A_364 = arith.constant 53 : i32
    %broadcast_in_dim3A_365 = vector.broadcast %jit3A_364 : i32 to vector<2304x128xi32>
    %select_n3A_366 = arith.select %gt3A_362, %broadcast_in_dim3A_365, %select_n3A_360 : vector<2304x128xi1>, vector<2304x128xi32>
    %slice3A_367 = vector.extract_strided_slice %dot_general3A_330 {offsets = [0, 768], sizes = [2304, 128], strides = [1, 1]} : vector<2304x1024xf32> to vector<2304x128xf32>
    %gt3A_368 = arith.cmpf ogt, %slice3A_367, %max3A_363 : vector<2304x128xf32>
    %max3A_369 = arith.maximumf %slice3A_367, %max3A_363 : vector<2304x128xf32>
    %jit3A_370 = arith.constant 54 : i32
    %broadcast_in_dim3A_371 = vector.broadcast %jit3A_370 : i32 to vector<2304x128xi32>
    %select_n3A_372 = arith.select %gt3A_368, %broadcast_in_dim3A_371, %select_n3A_366 : vector<2304x128xi1>, vector<2304x128xi32>
    %slice3A_373 = vector.extract_strided_slice %dot_general3A_330 {offsets = [0, 896], sizes = [2304, 128], strides = [1, 1]} : vector<2304x1024xf32> to vector<2304x128xf32>
    %gt3A_374 = arith.cmpf ogt, %slice3A_373, %max3A_369 : vector<2304x128xf32>
    %max3A_375 = arith.maximumf %slice3A_373, %max3A_369 : vector<2304x128xf32>
    %jit3A_376 = arith.constant 55 : i32
    %broadcast_in_dim3A_377 = vector.broadcast %jit3A_376 : i32 to vector<2304x128xi32>
    %select_n3A_378 = arith.select %gt3A_374, %broadcast_in_dim3A_377, %select_n3A_372 : vector<2304x128xi1>, vector<2304x128xi32>
    %get3A_379 = arith.constant 7168 : index
    %get3A_380 = arith.constant 0 : index
    %get3A_381 = vector.load %arg9[%get3A_379, %get3A_380] : memref<8192x256xf32, #tpu.memory_space<vmem>>, vector<1024x256xf32>
    %dot_general3A_382 = arith.constant dense<0.000000e+00> : vector<2304x1024xf32>
    %dot_general3A_383 = tpu.matmul %mul3A_8, %get3A_381, %dot_general3A_382 {dimension_numbers = #tpu.dot_dimension_numbers<[1], [1], [0], [0], [0, 0, 1, 0], [], []>, transpose_lhs_hint = false} : vector<2304x256xf32>, vector<1024x256xf32>, vector<2304x1024xf32> -> vector<2304x1024xf32>
    %slice3A_384 = vector.extract_strided_slice %dot_general3A_383 {offsets = [0, 0], sizes = [2304, 128], strides = [1, 1]} : vector<2304x1024xf32> to vector<2304x128xf32>
    %gt3A_385 = arith.cmpf ogt, %slice3A_384, %max3A_375 : vector<2304x128xf32>
    %max3A_386 = arith.maximumf %slice3A_384, %max3A_375 : vector<2304x128xf32>
    %jit3A_387 = arith.constant 56 : i32
    %broadcast_in_dim3A_388 = vector.broadcast %jit3A_387 : i32 to vector<2304x128xi32>
    %select_n3A_389 = arith.select %gt3A_385, %broadcast_in_dim3A_388, %select_n3A_378 : vector<2304x128xi1>, vector<2304x128xi32>
    %slice3A_390 = vector.extract_strided_slice %dot_general3A_383 {offsets = [0, 128], sizes = [2304, 128], strides = [1, 1]} : vector<2304x1024xf32> to vector<2304x128xf32>
    %gt3A_391 = arith.cmpf ogt, %slice3A_390, %max3A_386 : vector<2304x128xf32>
    %max3A_392 = arith.maximumf %slice3A_390, %max3A_386 : vector<2304x128xf32>
    %jit3A_393 = arith.constant 57 : i32
    %broadcast_in_dim3A_394 = vector.broadcast %jit3A_393 : i32 to vector<2304x128xi32>
    %select_n3A_395 = arith.select %gt3A_391, %broadcast_in_dim3A_394, %select_n3A_389 : vector<2304x128xi1>, vector<2304x128xi32>
    %slice3A_396 = vector.extract_strided_slice %dot_general3A_383 {offsets = [0, 256], sizes = [2304, 128], strides = [1, 1]} : vector<2304x1024xf32> to vector<2304x128xf32>
    %gt3A_397 = arith.cmpf ogt, %slice3A_396, %max3A_392 : vector<2304x128xf32>
    %max3A_398 = arith.maximumf %slice3A_396, %max3A_392 : vector<2304x128xf32>
    %jit3A_399 = arith.constant 58 : i32
    %broadcast_in_dim3A_400 = vector.broadcast %jit3A_399 : i32 to vector<2304x128xi32>
    %select_n3A_401 = arith.select %gt3A_397, %broadcast_in_dim3A_400, %select_n3A_395 : vector<2304x128xi1>, vector<2304x128xi32>
    %slice3A_402 = vector.extract_strided_slice %dot_general3A_383 {offsets = [0, 384], sizes = [2304, 128], strides = [1, 1]} : vector<2304x1024xf32> to vector<2304x128xf32>
    %gt3A_403 = arith.cmpf ogt, %slice3A_402, %max3A_398 : vector<2304x128xf32>
    %max3A_404 = arith.maximumf %slice3A_402, %max3A_398 : vector<2304x128xf32>
    %jit3A_405 = arith.constant 59 : i32
    %broadcast_in_dim3A_406 = vector.broadcast %jit3A_405 : i32 to vector<2304x128xi32>
    %select_n3A_407 = arith.select %gt3A_403, %broadcast_in_dim3A_406, %select_n3A_401 : vector<2304x128xi1>, vector<2304x128xi32>
    %slice3A_408 = vector.extract_strided_slice %dot_general3A_383 {offsets = [0, 512], sizes = [2304, 128], strides = [1, 1]} : vector<2304x1024xf32> to vector<2304x128xf32>
    %gt3A_409 = arith.cmpf ogt, %slice3A_408, %max3A_404 : vector<2304x128xf32>
    %max3A_410 = arith.maximumf %slice3A_408, %max3A_404 : vector<2304x128xf32>
    %jit3A_411 = arith.constant 60 : i32
    %broadcast_in_dim3A_412 = vector.broadcast %jit3A_411 : i32 to vector<2304x128xi32>
    %select_n3A_413 = arith.select %gt3A_409, %broadcast_in_dim3A_412, %select_n3A_407 : vector<2304x128xi1>, vector<2304x128xi32>
    %slice3A_414 = vector.extract_strided_slice %dot_general3A_383 {offsets = [0, 640], sizes = [2304, 128], strides = [1, 1]} : vector<2304x1024xf32> to vector<2304x128xf32>
    %gt3A_415 = arith.cmpf ogt, %slice3A_414, %max3A_410 : vector<2304x128xf32>
    %max3A_416 = arith.maximumf %slice3A_414, %max3A_410 : vector<2304x128xf32>
    %jit3A_417 = arith.constant 61 : i32
    %broadcast_in_dim3A_418 = vector.broadcast %jit3A_417 : i32 to vector<2304x128xi32>
    %select_n3A_419 = arith.select %gt3A_415, %broadcast_in_dim3A_418, %select_n3A_413 : vector<2304x128xi1>, vector<2304x128xi32>
    %slice3A_420 = vector.extract_strided_slice %dot_general3A_383 {offsets = [0, 768], sizes = [2304, 128], strides = [1, 1]} : vector<2304x1024xf32> to vector<2304x128xf32>
    %gt3A_421 = arith.cmpf ogt, %slice3A_420, %max3A_416 : vector<2304x128xf32>
    %max3A_422 = arith.maximumf %slice3A_420, %max3A_416 : vector<2304x128xf32>
    %jit3A_423 = arith.constant 62 : i32
    %broadcast_in_dim3A_424 = vector.broadcast %jit3A_423 : i32 to vector<2304x128xi32>
    %select_n3A_425 = arith.select %gt3A_421, %broadcast_in_dim3A_424, %select_n3A_419 : vector<2304x128xi1>, vector<2304x128xi32>
    %slice3A_426 = vector.extract_strided_slice %dot_general3A_383 {offsets = [0, 896], sizes = [2304, 128], strides = [1, 1]} : vector<2304x1024xf32> to vector<2304x128xf32>
    %gt3A_427 = arith.cmpf ogt, %slice3A_426, %max3A_422 : vector<2304x128xf32>
    %max3A_428 = arith.maximumf %slice3A_426, %max3A_422 : vector<2304x128xf32>
    %jit3A_429 = arith.constant 63 : i32
    %broadcast_in_dim3A_430 = vector.broadcast %jit3A_429 : i32 to vector<2304x128xi32>
    %select_n3A_431 = arith.select %gt3A_427, %broadcast_in_dim3A_430, %select_n3A_425 : vector<2304x128xi1>, vector<2304x128xi32>
    %reduce_max3A = arith.constant dense<0xFF800000> : vector<2304xf32>
    %reduce_max3A_432 = vector.multi_reduction <maximumf>, %max3A_428, %reduce_max3A [1] : vector<2304x128xf32> to vector<2304xf32>
    %broadcast_in_dim3A_433 = vector.shape_cast %reduce_max3A_432 : vector<2304xf32> to vector<2304x1xf32>
    %iota3A = tpu.iota {dimensions = array<i32: 1>} : vector<2304x128xi32>
    %eq3A_434 = vector.broadcast %broadcast_in_dim3A_433 : vector<2304x1xf32> to vector<2304x128xf32>
    %eq3A_435 = arith.cmpf oeq, %max3A_428, %eq3A_434 : vector<2304x128xf32>
    %mul3A_436 = arith.constant 128 : i32
    %mul3A_437 = vector.broadcast %mul3A_436 : i32 to vector<2304x128xi32>
    %mul3A_438 = arith.muli %select_n3A_431, %mul3A_437 : vector<2304x128xi32>
    %add3A = arith.addi %mul3A_438, %iota3A : vector<2304x128xi32>
    %jit3A_439 = arith.constant 8192 : i32
    %broadcast_in_dim3A_440 = vector.broadcast %jit3A_439 : i32 to vector<2304x128xi32>
    %select_n3A_441 = arith.select %eq3A_435, %add3A, %broadcast_in_dim3A_440 : vector<2304x128xi1>, vector<2304x128xi32>
    %reduce_min3A = arith.constant dense<2147483647> : vector<2304xi32>
    %reduce_min3A_442 = vector.multi_reduction <minsi>, %select_n3A_441, %reduce_min3A [1] : vector<2304x128xi32> to vector<2304xi32>
    %broadcast_in_dim3A_443 = vector.shape_cast %reduce_min3A_442 : vector<2304xi32> to vector<2304x1xi32>
    %swap3A = arith.constant 0 : index
    %swap3A_444 = arith.constant 0 : index
    %swap3A_445 = vector.load %arg7[%swap3A, %swap3A_444] : memref<2304x1xf32, #tpu.memory_space<vmem>>, vector<2304x1xf32>
    tpu.vector_store %arg7[%swap3A, %swap3A_444], %broadcast_in_dim3A_433 {strides = array<i32>} : memref<2304x1xf32, #tpu.memory_space<vmem>>, vector<2304x1xf32>,
    %swap3A_446 = arith.constant 0 : index
    %swap3A_447 = arith.constant 0 : index
    %swap3A_448 = vector.load %arg6[%swap3A_446, %swap3A_447] : memref<2304x1xi32, #tpu.memory_space<vmem>>, vector<2304x1xi32>
    tpu.vector_store %arg6[%swap3A_446, %swap3A_447], %broadcast_in_dim3A_443 {strides = array<i32>} : memref<2304x1xi32, #tpu.memory_space<vmem>>, vector<2304x1xi32>,
    return
  }
  func.func @transform_0(%arg0: i32) -> (i32, i32) {
    %c0_i32 = arith.constant 0 : i32
    %c0_i32_0 = arith.constant 0 : i32
    return %arg0, %c0_i32 : i32, i32
  }
  func.func @transform_1(%arg0: i32) -> (i32, i32) {
    %c0_i32 = arith.constant 0 : i32
    %c0_i32_0 = arith.constant 0 : i32
    %c0_i32_1 = arith.constant 0 : i32
    return %c0_i32, %c0_i32_0 : i32, i32
  }
  func.func @transform_2(%arg0: i32) -> (i32, i32) {
    %c0_i32 = arith.constant 0 : i32
    %c0_i32_0 = arith.constant 0 : i32
    %c0_i32_1 = arith.constant 0 : i32
    return %c0_i32, %c0_i32_0 : i32, i32
  }
  func.func @transform_3(%arg0: i32) -> (i32, i32) {
    %c0_i32 = arith.constant 0 : i32
    %c0_i32_0 = arith.constant 0 : i32
    %c0_i32_1 = arith.constant 0 : i32
    return %c0_i32, %c0_i32_0 : i32, i32
  }
  func.func @transform_4(%arg0: i32) -> (i32, i32) {
    %c0_i32 = arith.constant 0 : i32
    %c0_i32_0 = arith.constant 0 : i32
    %c0_i32_1 = arith.constant 0 : i32
    return %c0_i32, %c0_i32_0 : i32, i32
  }
  func.func @transform_5(%arg0: i32) -> (i32, i32) {
    %c0_i32 = arith.constant 0 : i32
    %c0_i32_0 = arith.constant 0 : i32
    return %arg0, %c0_i32 : i32, i32
  }
  func.func @transform_6(%arg0: i32) -> (i32, i32) {
    %c0_i32 = arith.constant 0 : i32
    %c0_i32_0 = arith.constant 0 : i32
    return %arg0, %c0_i32 : i32, i32
  }
  func.func @transform_7(%arg0: i32) -> (i32, i32) {
    %c0_i32 = arith.constant 0 : i32
    %c0_i32_0 = arith.constant 0 : i32
    %c0_i32_1 = arith.constant 0 : i32
    return %c0_i32, %c0_i32_0 : i32, i32
  }
}

</mosaic_0001>

<sc_bundles>
// kernel: kernel.4.cloned.1.call-start
scs
__scs_entry_jumppad:
0x0: {  	(pc) =	sbr.rel $0x88, $3  }
0x1: {  	(tag) =	ssettag $0x0;
	lr =	simm.s32 $0x1  }
0x2: {  	[smem:$0x3F9C] =	sst lr;
	_ =	strace $0xD0000000  }
0x3: {  	_ = 	snop  }
0x4: {  	_ = 	snop  }
0x5: {  	_ = 	snop  }
0x6: {  	_ = 	snop  }
0x7: {  	_ = 	snop  }
__scs_overlays_trampoline_lowered:
0x8: {  	[smem:$0x3FAB] =	sst s0  }
0x9: {  	[smem:$0x3FAC] =	sst s1  }
0xa: {  	[smem:$0x3FAD] =	sst s2  }
0xb: {  	[smem:$0x3FAE] =	sst s3  }
0xc: {  	[smem:$0x3FAF] =	sst s4  }
0xd: {  	[smem:$0x3FB0] =	sst s5  }
0xe: {  	[smem:$0x3FB1] =	sst s6  }
0xf: {  	[smem:$0x3FB2] =	sst s7  }
0x10: {  	[smem:$0x3FB3] =	sst s8  }
0x11: {  	[smem:$0x3FB4] =	sst s9;
	s0 =	simm.s32 @!p0 $0x0  }
0x12: {  	s1 =	sld [smem:$0x3F9A];
	s0 =	simm.s32 @p0 $0x1  }
0x13: {  	[smem:$0x3FB5] =	sst s0;
	s0 =	simm.s32 @!p1 $0x0  }
0x14: {  	s2 =	sld [smem:$0x3F99];
	s0 =	simm.s32 @p1 $0x1  }
0x15: {  	[smem:$0x3FB6] =	sst s0;
	s0 =	simm.s32 @!p2 $0x0  }
0x16: {  	s3 =	sld [smem:$0x3FDB];
	s0 =	simm.s32 @p2 $0x1  }
0x17: {  	s4 =	simm.s32 $0x1BF5;
	[smem:$0x3FB8] =	sst s0  }
0x18: {  	s0 =	sld [smem:$0x3F9B];
	_ =	swait.ge [sflag:s4], $0x0  }
0x19: {  	s7 =	sld [smem:$0x3F9C]  }
0x1a: {  	s8 =	sadd.s32 $0xFFFFE003, lr  }
0x1b: {  	s9 =	sadd.s32 $0xFFFFFEF7, lr;
	s5 =	simm.s32 $0xFFFFFFFF;
	p2 =	slt.u32 s8, $0xFFFFF086  }
0x1c: {  	p1 =	slt.u32 s9, $0xF7A;
	s5 =	simm.s32 @!p2 $0x0  }
0x1d: {  	s5 =	simm.s32 @p1 $0x1;
	p0 =	seq.s32 s7, s2  }
0x1e: {  	s7 =	smul.u32 @!p0 $0xF7A, s2;
	p2 =	seq.s32 @!p0 s5, $0x0  }
0x1f: {  	s9 =	smul.u32 $0xF7A, s1;
	s8 =	simm.s32 @!p0 $0x1BF5;
	p2 =	por !p2, p0  }
0x20: {  	[sflag:s8] =	ssyncset.s32 @!p0 $0xFFFFF086;
	s6 =	sadd.s32 @!p0 s3, s7;
	s7 =	simm.s32 @!p0 $0x108  }
0x21: {  	s3 =	sadd.s32 s3, s9;
	s6 =	sadd.s32 @!p0 $0x88, s6;
	s7 =	simm.s32 @p2 $0x1082  }
0x22: {  	[simem:s7], [sflag:s8] =	dma.local @!p0 [hbm:s6], $0xF7A  }
0x23: {  	s9 =	sor.u32 $0xD0000000, s2;
	s6 =	simm.s32 $0x108;
	_ =	swait.ge @!p0 [sflag:s8], $0x0  }
0x24: {  	s3 =	sadd.s32 $0x88, s3;
	s6 =	simm.s32 @!p1 $0x1082;
	[sflag:s4] =	ssyncset.s32 $0xFFFFF086  }
0x25: {  	[simem:s6], [sflag:s4] =	dma.local [hbm:s3], $0xF7A  }
0x26: {  	[smem:$0x3F9C] =	sst s1;
	(tag) =	ssettag s2;
	_ =	strace s9  }
0x27: {  	s1 =	sld [smem:$0x3FAC]  }
0x28: {  	s2 =	sld [smem:$0x3FAD]  }
0x29: {  	s4 =	sld [smem:$0x3FAF]  }
0x2a: {  	p0 =	seq.s32 s5, $0x0;
	s5 =	sld [smem:$0x3FB0]  }
0x2b: {  	s6 =	sld [smem:$0x3FB1]  }
0x2c: {  	s7 =	sld [smem:$0x3FB2]  }
0x2d: {  	s3 =	simm.s32 $0x108;
	s8 =	sld [smem:$0x3FB3]  }
0x2e: {  	s3 =	simm.s32 @!p0 $0x1082;
	s9 =	sld [smem:$0x3FB4]  }
0x2f: {  	lr =	sadd.s32 s0, s3;
	s0 =	sld [smem:$0x3FAB]  }
0x30: {  	s3 =	sld [smem:$0x3FAE]  }
0x31: {  	[smem:$0x3FB7] =	sst s10  }
0x32: {  	s10 =	sld [smem:$0x3FB5];
	_ =	sdelay $0x3  }
0x33: {  	p0 =	seq.s32 s10, $0x1;
	s10 =	sld [smem:$0x3FB7];
	_ =	sdelay $0x3  }
0x34: {  	[smem:$0x3FB7] =	sst s10  }
0x35: {  	s10 =	sld [smem:$0x3FB6];
	_ =	sdelay $0x3  }
0x36: {  	p1 =	seq.s32 s10, $0x1;
	s10 =	sld [smem:$0x3FB7];
	_ =	sdelay $0x3  }
0x37: {  	[smem:$0x3FB7] =	sst s10  }
0x38: {  	s10 =	sld [smem:$0x3FB8]  }
0x39: {  	_ = 	snop;
	(pc) =	sbr.ind lr, $3  }
0x3a: {  	_ = 	snop  }
0x3b: {  	_ = 	snop  }
0x3c: {  	p2 =	seq.s32 s10, $0x1;
	s10 =	sld [smem:$0x3FB7]  }
0x3d: {  	_ =	shalt  }
0x3e: {  	_ =	shalt  }
0x3f: {  	_ =	shalt  }
0x40: {  	_ =	shalt  }
0x41: {  	_ =	shalt  }
0x42: {  	_ =	shalt  }
0x43: {  	_ =	shalt  }
0x44: {  	_ =	shalt  }
0x45: {  	_ =	shalt  }
0x46: {  	_ =	shalt  }
0x47: {  	_ =	shalt  }
0x48: {  	_ =	shalt  }
0x49: {  	_ =	shalt  }
0x4a: {  	_ =	shalt  }
0x4b: {  	_ =	shalt  }
0x4c: {  	_ =	shalt  }
0x4d: {  	_ =	shalt  }
0x4e: {  	_ =	shalt  }
0x4f: {  	_ =	shalt  }
0x50: {  	_ =	shalt  }
0x51: {  	_ =	shalt  }
0x52: {  	_ =	shalt  }
0x53: {  	_ =	shalt  }
0x54: {  	_ =	shalt  }
0x55: {  	_ =	shalt  }
0x56: {  	_ =	shalt  }
0x57: {  	_ =	shalt  }
0x58: {  	_ =	shalt  }
0x59: {  	_ =	shalt  }
0x5a: {  	_ =	shalt  }
0x5b: {  	_ =	shalt  }
0x5c: {  	_ =	shalt  }
0x5d: {  	_ =	shalt  }
0x5e: {  	_ =	shalt  }
0x5f: {  	_ =	shalt  }
0x60: {  	_ =	shalt  }
0x61: {  	_ =	shalt  }
0x62: {  	_ =	shalt  }
0x63: {  	_ =	shalt  }
0x64: {  	_ =	shalt  }
0x65: {  	_ =	shalt  }
0x66: {  	_ =	shalt  }
0x67: {  	_ =	shalt  }
0x68: {  	_ =	shalt  }
0x69: {  	_ =	shalt  }
0x6a: {  	_ =	shalt  }
0x6b: {  	_ =	shalt  }
0x6c: {  	_ =	shalt  }
0x6d: {  	_ =	shalt  }
0x6e: {  	_ =	shalt  }
0x6f: {  	_ =	shalt  }
0x70: {  	_ =	shalt  }
0x71: {  	_ =	shalt  }
0x72: {  	_ =	shalt  }
0x73: {  	_ =	shalt  }
0x74: {  	_ =	shalt  }
0x75: {  	_ =	shalt  }
0x76: {  	_ =	shalt  }
0x77: {  	_ =	shalt  }
0x78: {  	_ =	shalt  }
0x79: {  	_ =	shalt  }
0x7a: {  	_ =	shalt  }
0x7b: {  	_ =	shalt  }
0x7c: {  	_ =	shalt  }
0x7d: {  	_ =	shalt  }
0x7e: {  	_ =	shalt  }
0x7f: {  	_ =	shalt  }
0x80: {  	_ =	shalt  }
0x81: {  	_ =	shalt  }
0x82: {  	_ =	shalt  }
0x83: {  	_ =	shalt  }
0x84: {  	_ =	shalt  }
0x85: {  	_ =	shalt  }
0x86: {  	_ =	shalt  }
0x87: {  	_ =	shalt  }
.Lfunc_end0:
.L_simem_size_0:
called_computation_lowered:
.L_overlay_start_0:
0x88: {  	s2 =	sld [smem:$0x3FD9]  }
0x89: {  	s3 =	sld [smem:$0x3FFE];
	_ =	sdelay $0x1  }
0x8a: {  	s1 =	srdreg.scid  }
0x8b: {  	s0 =	sand.u32 $0x1, s1  }
0x8c: {  	s14 =	sshll.u32 s0, $0xA;
	s2 =	sadd.s32 s3, s2  }
0x8d: {  	s2 =	sadd.s32 s2, s14  }
0x8e: {  	[smem:$0x3FC3] =	sst s2  }
0x8f: {  	_ = 	snop  }
0x90: {  	s2 =	sld [smem:$0x3FD0];
	_ =	sdelay $0x2  }
0x91: {  	s15 =	simm.s32 $0xA;
	s4 =	simm.s32 $0x10  }
0x92: {  	[smem:s4], [sflag:s15] =	dma.local [hbm:s2], $0x1  }
0x93: {  	_ =	swait.eq [sflag:s15], $0x1  }
0x94: {  	[sflag:s15] =	ssyncset.done $0x0  }
0x95: {  	[sflag:s15] =	ssyncadd.s32 $0xFFFFFFFF  }
0x96: {  	s16 =	sld [smem:$0x12];
	(tm) =	ssettm $0x1  }
0x97: {  	s17 =	sld [smem:$0x3FFB];
	_ =	sdelay $0x3  }
0x98: {  	_ =	strace s17  }
0x99: {  	s3 =	sld [smem:$0x3FFC];
	_ =	sdelay $0x3  }
0x9a: {  	_ =	strace s3  }
0x9b: {  	s3 =	sld [smem:$0x3FFD];
	_ =	sdelay $0x3  }
0x9c: {  	_ =	strace s3  }
0x9d: {  	_ =	strace $0x8FFFFFFF  }
0x9e: {  	s18 =	sld [smem:$0x3FDB];
	_ =	sdelay $0x1  }
0x9f: {  	s19 =	simm.s32 $_scs_section_size  }
0xa0: {  	s5 =	simm.s32 $_size__tile_overlayer_lowered;
	s6 =	simm.s32 $_tile_overlayer_lowered  }
0xa1: {  	s22 =	simm.s32 $0x1BFF;
	s21 =	sshll.u32 s6, $0x1;
	s3 =	sadd.s32 s19, s18  }
0xa2: {  	s7 =	simm.s32 $0x0;
	s20 =	sshll.u32 s5, $0x1;
	s5 =	sadd.s32 s21, s3  }
0xa3: {  	[timem:s7], [sflag:s22] =	dma.local [hbm:s5], s20  }
0xa4: {  	_ =	swait.ge [sflag:s22], s20  }
0xa5: {  	s4 =	ssub.s32 $0x0, s20;
	[sflag:s22] =	ssyncset.done $0x0  }
0xa6: {  	[sflag:s22] =	ssyncadd.s32 s4;
	_ =	sdelay $0x1  }
0xa7: {  	s23 =	simm.s32 $0x1B8B  }
0xa8: {  	_ =	swait.ge [sflag:s23], $0x1  }
0xa9: {  	[sflag:s23] =	ssyncset.done $0x0  }
0xaa: {  	s25 =	simm.s32 $0x1B8E;
	s24 =	sld [smem:$0x3FFE];
	[sflag:s23] =	ssyncadd.s32 $0xFFFFFFFF  }
0xab: {  	s26 =	simm.s32 $execute0_lowered;
	[smem:$0x3FD2] =	sst s25  }
0xac: {  	s5 =	sshll.u32 s26, $0x1;
	_ =	strace $0x80000046;
	[dreg:$0x1] =	wrdreg $0xFFFFFFFF  }
0xad: {  	s28 =	simm.s32 $_size_execute0_lowered;
	s3 =	sadd.s32 s3, s5;
	[dreg:$0x0] =	wrdreg $0x0  }
0xae: {  	s5 =	sshll.u32 s28, $0x1;
	[dreg:$0x2] =	wrdreg s3  }
0xaf: {  	[dreg:$0x3] =	wrdreg s5  }
0xb0: {  	[dreg:$0x4] =	wrdreg $0xC0  }
0xb1: {  	_ =	task [dreg:s7], $0x5FFFF  }
0xb2: {  	[dreg:$0x1] =	wrdreg $0xFFFFFFFF  }
0xb3: {  	[dreg:$0x0] =	wrdreg $0x60  }
0xb4: {  	[dreg:$0x2] =	wrdreg s24  }
0xb5: {  	[dreg:$0x3] =	wrdreg s16  }
0xb6: {  	[dreg:$0x4] =	wrdreg $0x9  }
0xb7: {  	_ =	task.clear_ibuf [dreg:s7], $0x5FFFF;
	_ =	strace $0x90000046  }
0xb8: {  	s29 =	simm.s32 $0x9;
	_ =	strace $0x80000048  }
0xb9: {  	_ =	swait.ge [sflag:s29], $0x1  }
0xba: {  	[sflag:s29] =	ssyncadd.s32 $0xFFFFFFFF  }
0xbb: {  	_ =	strace $0x90000048  }
0xbc: {  	_ =	sfence  }
0xbd: {  	s30 =	sld [smem:$0x0];
	_ =	sdelay $0x2  }
0xbe: {  	s31 =	sshll.u32 s1, $0xD;
	s1 =	sshrl.u32 s1, $0x2  }
0xbf: {  	s3 =	sand.u32 $0x4000, s31;
	s1 =	sadd.s32 s1, s30  }
0xc0: {  	s0 =	sor.u32 s3, s0;
	s1 =	sshll.u32 s1, $0x11  }
0xc1: {  	s0 =	sor.u32 s1, s0  }
0xc2: {  	s0 =	sadd.s32 $0x8F2B, s0  }
0xc3: {  	[sflag:s0] =	ssyncadd.remote.s32 $0x1  }
0xc4: {  	_ =	sfence.sel $0xFFFF  }
0xc5: {  	[dreg:$0x0] =	wrdreg $0xFFFFFFFF;
	(pc) =	sbr.abs _section_cstart, $3  }
0xc6: {  	[dreg:$0x1] =	wrdreg $0xFFFFFFFF  }
0xc7: {  	_ =	task.clear_ibuf [dreg:s7], $0x2FFFF;
	_ =	strace $0x9FFFFFFF  }
0xc8: {  	(tm) =	ssettm $0x7FFFFFFF  }
0xc9: {  	_ =	shalt  }
tec
execute0_lowered:
.L_overlay_start_1:
0x0: {  	(tag) =	ssettag $0x1  }
0x1: {  	s4 =	rddreg [dreg:$0x0];
	s1 =	srdreg.scid  }
0x2: {  	s0 =	stileid.u32;
	s5 =	rddreg [dreg:$0x1];
	s2 =	simm.s32 $0x0  }
0x3: {  	s9 =	simm.s32 $0x900;
	s10 =	simm.s32 $0x1100;
	s11 =	simm.s32 $0x1900  }
0x4: {  	s12 =	simm.s32 $0x2100;
	s13 =	simm.s32 $0x2900;
	s14 =	simm.s32 $0x3100  }
0x5: {  	s15 =	simm.s32 $0x3900;
	s16 =	simm.s32 $0x4100;
	s17 =	simm.s32 $0x4900  }
0x6: {  	s18 =	simm.s32 $0x5100;
	s19 =	simm.s32 $0x5900;
	s20 =	simm.s32 $0x6100  }
0x7: {  	s21 =	simm.s32 $0x6900;
	s22 =	simm.s32 $0x7100;
	s23 =	simm.s32 $0x7900  }
0x8: {  	s24 =	simm.s32 $0x8100;
	s3 =	sand.u32 $0x1, s1;
	s6 =	sshll.u32 s0, $0x1  }
0x9: {  	s25 =	simm.s32 $0x8900;
	s1 =	rddreg [dreg:$0x2];
	s6 =	sor.u32 s3, s6  }
0xa: {  	s26 =	simm.s32 $0x1;
	[smem:$0x7FF] =	sst s2;
	s7 =	smul.u32 $0x12, s6  }
0xb: {  	_ =	strace $0x80000047;
	s8 =	ssub.s32 $0x2, s3;
	s6 =	smul.u32 $0x1200, s6  }
0xc: {  	v2 =	vlaneseq.u32;
	s3 =	sadd.s32 $0x800, s4;
	s31 =	sshrl.u32 s8, $0x1;
	s4 =	sadd.s32 s7, s4  }
0xd: {  	vm0 =	vmmov $0xffff;
	v1 =	vshrl.u32 v2, $0x3;
	s7 =	ssub.s32 s8, s31;
	s5 =	sadd.s32 s5, s6;
	s8 =	simm.s32 $0x100  }
0xe: {  	v0 =	vand.u32 $0x7, v2;
	v2 =	vor.u32 $0x8, v2;
	v1 =	vmul.u32 $0x8, v1;
	s4 =	sadd.s32 $0x40800, s4;
	s6 =	smax.u32 s7, $0x1;
	s7 =	simm.s32 $0x2  }
.LBB2_1:
0xf: {  	[tilespmem:s2], [sflag:$0x2] =	stream.linear.gather [hbm4b:s4+s2], $0x90, $0x38;
	[tilespmem:$0x9100] =	vst v63  }
0x10: {  	_ =	swait.ge [sflag:s7], $0x90  }
0x11: {  	[sflag:s7] =	ssyncset.done $0x0  }
0x12: {  	[sflag:s7] =	ssyncadd.s32 $0xFFFFFF70  }
0x13: {  	v3 =	vld [tilespmem:$0x0];
	_ =	sdelay $0x4  }
0x14: {  	v4 =	vshll.u32 v3, $0x1  }
0x15: {  	v3 =	vand.u32 $0x7, v3;
	v4 =	vand.u32 $0xFFFFFFF0, v4  }
0x16: {  	v3 =	vor.u32 v3, v4  }
0x17: {  	v4 =	vperm.xlane v3, v0;
	_ =	sdelay $0x1  }
0x18: {  	v3 =	vperm.xlane v3, v2;
	v4 =	vadd.s32 v1, v4;
	_ =	sdelay $0x1  }
0x19: {  	v3 =	vadd.s32 v1, v3;
	_ =	sdelay $0x2  }
0x1a: {  	[tilespmem:s8], [sflag:$0x1] =	stream.indirect_vreg.gather [hbm4b:s3+s2], $0x80, v4, vm0, $0xb8;
	[tilespmem:$0x9100] =	vst v63  }
0x1b: {  	_ = 	snop  }
0x1c: {  	[tilespmem:s9], [sflag:$0x1] =	stream.indirect_vreg.gather [hbm4b:s3+s2], $0x80, v3, vm0, $0xb8;
	[tilespmem:$0x9100] =	vst v63  }
0x1d: {  	v3 =	vld [tilespmem:$0x10];
	_ =	sdelay $0x4  }
0x1e: {  	v56 =	vshll.u32 v3, $0x1  }
0x1f: {  	v3 =	vand.u32 $0x7, v3;
	v4 =	vand.u32 $0xFFFFFFF0, v56  }
0x20: {  	v3 =	vor.u32 v3, v4  }
0x21: {  	v4 =	vperm.xlane v3, v0;
	_ =	sdelay $0x1  }
0x22: {  	v3 =	vperm.xlane v3, v2;
	v4 =	vadd.s32 v1, v4;
	_ =	sdelay $0x1  }
0x23: {  	v3 =	vadd.s32 v1, v3;
	_ =	sdelay $0x2  }
0x24: {  	[tilespmem:s10], [sflag:$0x1] =	stream.indirect_vreg.gather [hbm4b:s3+s2], $0x80, v4, vm0, $0xb8;
	[tilespmem:$0x9100] =	vst v63  }
0x25: {  	_ = 	snop  }
0x26: {  	[tilespmem:s11], [sflag:$0x1] =	stream.indirect_vreg.gather [hbm4b:s3+s2], $0x80, v3, vm0, $0xb8;
	[tilespmem:$0x9100] =	vst v63  }
0x27: {  	v3 =	vld [tilespmem:$0x20];
	_ =	sdelay $0x4  }
0x28: {  	v57 =	vshll.u32 v3, $0x1  }
0x29: {  	v3 =	vand.u32 $0x7, v3;
	v4 =	vand.u32 $0xFFFFFFF0, v57  }
0x2a: {  	v3 =	vor.u32 v3, v4  }
0x2b: {  	v4 =	vperm.xlane v3, v0;
	_ =	sdelay $0x1  }
0x2c: {  	v3 =	vperm.xlane v3, v2;
	v4 =	vadd.s32 v1, v4;
	_ =	sdelay $0x1  }
0x2d: {  	v3 =	vadd.s32 v1, v3;
	_ =	sdelay $0x2  }
0x2e: {  	[tilespmem:s12], [sflag:$0x1] =	stream.indirect_vreg.gather [hbm4b:s3+s2], $0x80, v4, vm0, $0xb8;
	[tilespmem:$0x9100] =	vst v63  }
0x2f: {  	_ = 	snop  }
0x30: {  	[tilespmem:s13], [sflag:$0x1] =	stream.indirect_vreg.gather [hbm4b:s3+s2], $0x80, v3, vm0, $0xb8;
	[tilespmem:$0x9100] =	vst v63  }
0x31: {  	v3 =	vld [tilespmem:$0x30];
	_ =	sdelay $0x4  }
0x32: {  	v58 =	vshll.u32 v3, $0x1  }
0x33: {  	v3 =	vand.u32 $0x7, v3;
	v4 =	vand.u32 $0xFFFFFFF0, v58  }
0x34: {  	v3 =	vor.u32 v3, v4  }
0x35: {  	v4 =	vperm.xlane v3, v0;
	_ =	sdelay $0x1  }
0x36: {  	v3 =	vperm.xlane v3, v2;
	v4 =	vadd.s32 v1, v4;
	_ =	sdelay $0x1  }
0x37: {  	v3 =	vadd.s32 v1, v3;
	_ =	sdelay $0x2  }
0x38: {  	[tilespmem:s14], [sflag:$0x1] =	stream.indirect_vreg.gather [hbm4b:s3+s2], $0x80, v4, vm0, $0xb8;
	[tilespmem:$0x9100] =	vst v63  }
0x39: {  	_ = 	snop  }
0x3a: {  	[tilespmem:s15], [sflag:$0x1] =	stream.indirect_vreg.gather [hbm4b:s3+s2], $0x80, v3, vm0, $0xb8;
	[tilespmem:$0x9100] =	vst v63  }
0x3b: {  	v3 =	vld [tilespmem:$0x40];
	_ =	sdelay $0x4  }
0x3c: {  	v59 =	vshll.u32 v3, $0x1  }
0x3d: {  	v3 =	vand.u32 $0x7, v3;
	v4 =	vand.u32 $0xFFFFFFF0, v59  }
0x3e: {  	v3 =	vor.u32 v3, v4  }
0x3f: {  	v4 =	vperm.xlane v3, v0;
	_ =	sdelay $0x1  }
0x40: {  	v3 =	vperm.xlane v3, v2;
	v4 =	vadd.s32 v1, v4;
	_ =	sdelay $0x1  }
0x41: {  	v3 =	vadd.s32 v1, v3;
	_ =	sdelay $0x2  }
0x42: {  	[tilespmem:s16], [sflag:$0x1] =	stream.indirect_vreg.gather [hbm4b:s3+s2], $0x80, v4, vm0, $0xb8;
	[tilespmem:$0x9100] =	vst v63  }
0x43: {  	_ = 	snop  }
0x44: {  	[tilespmem:s17], [sflag:$0x1] =	stream.indirect_vreg.gather [hbm4b:s3+s2], $0x80, v3, vm0, $0xb8;
	[tilespmem:$0x9100] =	vst v63  }
0x45: {  	v3 =	vld [tilespmem:$0x50];
	_ =	sdelay $0x4  }
0x46: {  	v60 =	vshll.u32 v3, $0x1  }
0x47: {  	v3 =	vand.u32 $0x7, v3;
	v4 =	vand.u32 $0xFFFFFFF0, v60  }
0x48: {  	v3 =	vor.u32 v3, v4  }
0x49: {  	v4 =	vperm.xlane v3, v0;
	_ =	sdelay $0x1  }
0x4a: {  	v3 =	vperm.xlane v3, v2;
	v4 =	vadd.s32 v1, v4;
	_ =	sdelay $0x1  }
0x4b: {  	v3 =	vadd.s32 v1, v3;
	_ =	sdelay $0x2  }
0x4c: {  	[tilespmem:s18], [sflag:$0x1] =	stream.indirect_vreg.gather [hbm4b:s3+s2], $0x80, v4, vm0, $0xb8;
	[tilespmem:$0x9100] =	vst v63  }
0x4d: {  	_ = 	snop  }
0x4e: {  	[tilespmem:s19], [sflag:$0x1] =	stream.indirect_vreg.gather [hbm4b:s3+s2], $0x80, v3, vm0, $0xb8;
	[tilespmem:$0x9100] =	vst v63  }
0x4f: {  	v3 =	vld [tilespmem:$0x60];
	_ =	sdelay $0x4  }
0x50: {  	v61 =	vshll.u32 v3, $0x1  }
0x51: {  	v3 =	vand.u32 $0x7, v3;
	v4 =	vand.u32 $0xFFFFFFF0, v61  }
0x52: {  	v3 =	vor.u32 v3, v4  }
0x53: {  	v4 =	vperm.xlane v3, v0;
	_ =	sdelay $0x1  }
0x54: {  	v3 =	vperm.xlane v3, v2;
	v4 =	vadd.s32 v1, v4;
	_ =	sdelay $0x1  }
0x55: {  	v3 =	vadd.s32 v1, v3;
	_ =	sdelay $0x2  }
0x56: {  	[tilespmem:s20], [sflag:$0x1] =	stream.indirect_vreg.gather [hbm4b:s3+s2], $0x80, v4, vm0, $0xb8;
	[tilespmem:$0x9100] =	vst v63  }
0x57: {  	_ = 	snop  }
0x58: {  	[tilespmem:s21], [sflag:$0x1] =	stream.indirect_vreg.gather [hbm4b:s3+s2], $0x80, v3, vm0, $0xb8;
	[tilespmem:$0x9100] =	vst v63  }
0x59: {  	v3 =	vld [tilespmem:$0x70];
	_ =	sdelay $0x4  }
0x5a: {  	v62 =	vshll.u32 v3, $0x1  }
0x5b: {  	v3 =	vand.u32 $0x7, v3;
	v4 =	vand.u32 $0xFFFFFFF0, v62  }
0x5c: {  	v3 =	vor.u32 v3, v4  }
0x5d: {  	v4 =	vperm.xlane v3, v0;
	_ =	sdelay $0x1  }
0x5e: {  	v3 =	vperm.xlane v3, v2;
	v4 =	vadd.s32 v1, v4;
	_ =	sdelay $0x1  }
0x5f: {  	v3 =	vadd.s32 v1, v3;
	_ =	sdelay $0x2  }
0x60: {  	[tilespmem:s22], [sflag:$0x1] =	stream.indirect_vreg.gather [hbm4b:s3+s2], $0x80, v4, vm0, $0xb8;
	[tilespmem:$0x9100] =	vst v63  }
0x61: {  	_ = 	snop  }
0x62: {  	[tilespmem:s23], [sflag:$0x1] =	stream.indirect_vreg.gather [hbm4b:s3+s2], $0x80, v3, vm0, $0xb8;
	[tilespmem:$0x9100] =	vst v63  }
0x63: {  	v3 =	vld [tilespmem:$0x80];
	_ =	sdelay $0x4  }
0x64: {  	v63 =	vshll.u32 v3, $0x1  }
0x65: {  	v3 =	vand.u32 $0x7, v3;
	v4 =	vand.u32 $0xFFFFFFF0, v63  }
0x66: {  	v3 =	vor.u32 v3, v4  }
0x67: {  	v4 =	vperm.xlane v3, v0;
	_ =	sdelay $0x1  }
0x68: {  	v3 =	vperm.xlane v3, v2;
	v4 =	vadd.s32 v1, v4;
	_ =	sdelay $0x1  }
0x69: {  	v3 =	vadd.s32 v1, v3;
	_ =	sdelay $0x2  }
0x6a: {  	[tilespmem:s24], [sflag:$0x1] =	stream.indirect_vreg.gather [hbm4b:s3+s2], $0x80, v4, vm0, $0xb8;
	[tilespmem:$0x9100] =	vst v63  }
0x6b: {  	_ = 	snop  }
0x6c: {  	[tilespmem:s25], [sflag:$0x1] =	stream.indirect_vreg.gather [hbm4b:s3+s2], $0x80, v3, vm0, $0xb8;
	[tilespmem:$0x9100] =	vst v63  }
0x6d: {  	_ =	swait.ge [sflag:s26], $0x9000  }
0x6e: {  	p0 =	sne.s32 s6, $0x1;
	[sflag:s26] =	ssyncset.done $0x0  }
.Ltmp0:
0x6f: {  	[sflag:s26] =	ssyncadd.s32 $0xFFFF7000;
	(pc) =	sbr.rel @p0 .LBB2_1-.Ltmp0, $4  }
0x70: {  	[hbm4b:s5+s2] =	stream.linear.scatter [tilespmem:s8], [sflag:$0x2], $0x9000, $0x38;
	[tilespmem:$0x9100] =	vst v63  }
0x71: {  	_ =	swait.ge [sflag:s7], $0x9000  }
0x72: {  	[sflag:s7] =	ssyncset.done $0x0  }
0x73: {  	s6 =	sadd.s32 $0xFFFFFFFF, s6;
	[sflag:s7] =	ssyncadd.s32 $0xFFFF7000  }
0x74: {  	_ =	sfence.sel $0x180000  }
0x75: {  	[bflag:$0x0] =	sbarrier.arrive $0xFFFF  }
0x76: {  	p0 =	sne.s32 s0, $0x0;
	_ =	strace $0x90000047  }
0x77: {  	s0 =	sadd.s32 @!p0 $0x100000, s1;
	[bflag:$0x2] =	sbarrier.arrive $0xFFFF  }
0x78: {  	[sflag:s0] =	ssyncadd.tile.s32 @!p0 $0x1;
	_ =	shalt  }
.Lfunc_end2:
_tile_overlayer_lowered:
.L_overlay_start_2:
0x79: {  	(tag) =	ssettag $0x2  }
0x7a: {  	s0 =	rddreg [dreg:$0x0];
	s2 =	stileid.u32  }
0x7b: {  	s1 =	rddreg [dreg:$0x1];
	p0 =	sne.s32 s2, $0x0  }
0x7c: {  	s3 =	rddreg [dreg:$0x2];
	[bflag:$0x3] =	sbarrier.arrive $0xFFFF;
	s2 =	simm.s32 @!p0 $0x1C02  }
0x7d: {  	[timem:s3], [sflag:s2] =	dma.local @!p0 [hbm:s0], s1  }
0x7e: {  	s0 =	simm.s32 @!p0 $0x2  }
0x7f: {  	_ =	swait.ge @!p0 [sflag:s0], s1  }
0x80: {  	s1 =	ssub.s32 @!p0 $0x0, s1;
	[sflag:s0] =	ssyncset.done @!p0 $0x0  }
0x81: {  	[sflag:s0] =	ssyncadd.s32 @!p0 s1  }
0x82: {  	[bflag:$0x3] =	sbarrier.arrive $0xFFFF  }
0x83: {  	_ =	shalt  }

</sc_bundles>
